<compile_context>
chip_gen: v7x
topology: tpu7x:2x2x1
jax: 0.10.2.dev20260603
libtpu: 0.0.44.dev20260713+nightly
codegen_flags: <defaults>
</compile_context>

<pallas_src>
import functools

import jax
import jax.numpy as jnp
from jax import lax
from jax.experimental import pallas as pl
from jax.experimental.pallas import tpu as pltpu
from jax.experimental.pallas import tpu_sc as plsc

_CACHE_FRAMES = 256
_NEW_FRAMES = 64
_TOK = 128
_D = 16 * 64

_ANY = pl.ANY
_SMEM = pltpu.MemorySpace.SMEM


_NBUF = 16
_LOOKAHEAD = 12


def _tc_body(idx_s, new_h, cache_h, out_h, src_s, buf, in_sems, out_sems):
    def init(j, c):
        src_s[j] = -1
        return c
    lax.fori_loop(0, _CACHE_FRAMES, init, 0, unroll=8)

    def setmap(i, c):
        src_s[idx_s[i]] = i
        return c
    lax.fori_loop(0, _NEW_FRAMES, setmap, 0, unroll=8)

    def start_in(w, b):
        s = src_s[w]

        @pl.when(s >= 0)
        def _():
            pltpu.make_async_copy(new_h.at[s], buf.at[b], in_sems.at[b]).start()

        @pl.when(s < 0)
        def _():
            pltpu.make_async_copy(cache_h.at[w], buf.at[b], in_sems.at[b]).start()

    def prime(w, c):
        start_in(w, w % _NBUF)
        return c
    lax.fori_loop(0, _LOOKAHEAD, prime, 0)

    def step(w, c):
        b = w % _NBUF
        pltpu.make_async_copy(cache_h.at[0], buf.at[b], in_sems.at[b]).wait()
        pltpu.make_async_copy(buf.at[b], out_h.at[w], out_sems.at[b]).start()
        u = w + _LOOKAHEAD

        @pl.when(u < _CACHE_FRAMES)
        def _():
            bu = u % _NBUF

            @pl.when(u >= _NBUF)
            def _():
                pltpu.make_async_copy(buf.at[bu], out_h.at[0],
                                      out_sems.at[bu]).wait()
            start_in(u, bu)
        return c
    lax.fori_loop(0, _CACHE_FRAMES, step, 0)

    def drain(b, c):
        pltpu.make_async_copy(buf.at[b], out_h.at[0], out_sems.at[b]).wait()
        return c
    lax.fori_loop(0, _NBUF, drain, 0)


def _tc_store(idx32, new2, cache2):
    return pl.pallas_call(
        _tc_body,
        out_shape=jax.ShapeDtypeStruct((_CACHE_FRAMES, _TOK, _D), jnp.float32),
        in_specs=[
            pl.BlockSpec(memory_space=_SMEM),
            pl.BlockSpec(memory_space=_ANY),
            pl.BlockSpec(memory_space=_ANY),
        ],
        out_specs=pl.BlockSpec(memory_space=_ANY),
        scratch_shapes=[
            pltpu.SMEM((_CACHE_FRAMES,), jnp.int32),
            pltpu.VMEM((_NBUF, _TOK, _D), jnp.float32),
            pltpu.SemaphoreType.DMA((_NBUF,)),
            pltpu.SemaphoreType.DMA((_NBUF,)),
        ],
    )(idx32, new2, cache2)



_NTEC = 32
_FRAMES_PER_TEC = _CACHE_FRAMES // _NTEC
_R = 32
_CPF = _TOK // _R
_JOBS = _FRAMES_PER_TEC * _CPF
_NSLOT = 2


def _sc_store(idx32, new3, cache3):
    mesh = plsc.VectorSubcoreMesh(core_axis_name="c", subcore_axis_name="s")

    @functools.partial(
        pl.kernel,
        out_type=jax.ShapeDtypeStruct((_CACHE_FRAMES, _TOK, _D), jnp.float32),
        mesh=mesh,
        scratch_types=[
            pltpu.SMEM((_NEW_FRAMES,), jnp.int32),
            pltpu.SMEM((_CACHE_FRAMES,), jnp.int32),
            pltpu.VMEM((_NEW_FRAMES,), jnp.int32),
            pltpu.VMEM((_NSLOT, _R, _D), jnp.float32),
            pltpu.SemaphoreType.DMA((_NSLOT,)),
        ],
    )
    def store(idx_h, new_h, cache_h, out_h, idx_s, src_s, idx_v, buf, out_sems):
        core = lax.axis_index("c")
        sub = lax.axis_index("s")
        pltpu.sync_copy(idx_h, idx_v)

        @pl.loop(0, _NEW_FRAMES // 16)
        def _(g):
            vec = idx_v[pl.ds(g * 16, 16)]
            for t in range(16):
                idx_s[g * 16 + t] = vec[t]

        @pl.loop(0, _CACHE_FRAMES)
        def _(j):
            src_s[j] = -1

        @pl.loop(0, _NEW_FRAMES)
        def _(i):
            src_s[idx_s[i]] = i

        wid = core * 16 + sub
        base = wid * _FRAMES_PER_TEC

        def sync_in(g, slot):
            frame = base + g // _CPF
            row0 = (g % _CPF) * _R
            s = src_s[frame]

            @pl.when(s >= 0)
            def _():
                pltpu.sync_copy(new_h.at[s, pl.ds(row0, _R)], buf.at[slot])

            @pl.when(s < 0)
            def _():
                pltpu.sync_copy(cache_h.at[frame, pl.ds(row0, _R)],
                                buf.at[slot])

        def wait_out(slot):
            pltpu.make_async_copy(buf.at[slot], out_h.at[0, pl.ds(0, _R)],
                                  out_sems.at[slot]).wait()

        @pl.loop(0, _JOBS, step=_NSLOT)
        def _(it):
            for slot in range(_NSLOT):
                g = it + slot
                frame = base + g // _CPF
                row0 = (g % _CPF) * _R

                @pl.when(g >= _NSLOT)
                def _():
                    wait_out(slot)

                sync_in(g, slot)
                pltpu.async_copy(buf.at[slot],
                                 out_h.at[frame, pl.ds(row0, _R)],
                                 out_sems.at[slot])

        for slot in range(_NSLOT):
            wait_out(slot)

    return store(idx32, new3, cache3)


def kernel(k, v, idx, k_cache, v_cache):
    idx32 = idx.astype(jnp.int32) % _CACHE_FRAMES
    out_v = _sc_store(
        idx32,
        v.reshape(_NEW_FRAMES, _TOK, _D),
        v_cache.reshape(_CACHE_FRAMES, _TOK, _D))
    out_k = _tc_store(
        idx32,
        k.reshape(_NEW_FRAMES, _TOK, _D),
        k_cache.reshape(_CACHE_FRAMES, _TOK, _D))
    return out_k.reshape(k_cache.shape), out_v.reshape(v_cache.shape)

# --- scband reference (transcript-rebuilt; emitter-appended) ---
"""Pipeline reference for scband-kvcache-fully-static-70497593197383 (READ-ONLY COPY).

The authoritative reference and input builder live on the scoring server;
editing this copy changes nothing except your own understanding.
"""

import jax, jax.numpy as jnp
import numpy as np

CACHE_FRAME_MAX = 256
NUM_TOKEN_PER_FRAME = 128
HEAD_NUM = 16
HEAD_DIM = 64
F = 64  # frames written per store_kvcache call


def setup_inputs(seed: int = 0) -> dict:
    key = jax.random.key(seed)
    k1, k2, k3 = jax.random.split(key, 3)
    k = jax.random.normal(k1, (1, F, NUM_TOKEN_PER_FRAME, HEAD_NUM, HEAD_DIM), dtype=jnp.float32)
    v = jax.random.normal(k2, (1, F, NUM_TOKEN_PER_FRAME, HEAD_NUM, HEAD_DIM), dtype=jnp.float32)
    idx = jax.random.randint(k3, (F,), 0, CACHE_FRAME_MAX, dtype=jnp.int64) if jax.config.read('jax_enable_x64') else jax.random.randint(k3, (F,), 0, CACHE_FRAME_MAX, dtype=jnp.int32)
    k_cache = jnp.zeros((CACHE_FRAME_MAX, NUM_TOKEN_PER_FRAME, HEAD_NUM, HEAD_DIM), dtype=jnp.float32)
    v_cache = jnp.zeros((CACHE_FRAME_MAX, NUM_TOKEN_PER_FRAME, HEAD_NUM, HEAD_DIM), dtype=jnp.float32)
    return {"k": k, "v": v, "idx": idx, "k_cache": k_cache, "v_cache": v_cache}


def reference(k, v, idx, k_cache, v_cache):
    # Faithful translation of KVCacheFullyStatic.store_kvcache:
    #   idx = idx % self.max_len
    #   self.k[idx] = k[0]; self.v[idx] = v[0]
    i = idx % CACHE_FRAME_MAX
    new_k = k_cache.at[i].set(k[0])
    new_v = v_cache.at[i].set(v[0])
    return (new_k, new_v)

if __name__ == "__main__":
    import jax
    _d = setup_inputs()
    print(jax.jit(kernel)(*tuple(_d.values())))

</pallas_src>

<mosaic_0001>
#map = affine_map<(d0, d1) -> (0)>
#map1 = affine_map<(d0, d1) -> (0, 0, 0)>
module attributes {stable_mosaic.version = 14 : i64} {
  func.func @store(%arg0: i32, %arg1: i32, %arg2: memref<64xi32, #tpu.memory_space<hbm>>, %arg3: memref<64x128x1024xf32, #tpu.memory_space<hbm>>, %arg4: memref<256x128x1024xf32, #tpu.memory_space<hbm>>, %arg5: memref<256x128x1024xf32, #tpu.memory_space<hbm>>, %arg6: memref<64xi32, #tpu.memory_space<smem>>, %arg7: memref<256xi32, #tpu.memory_space<smem>>, %arg8: memref<64xi32, #tpu.memory_space<vmem>>, %arg9: memref<2x32x1024xf32, #tpu.memory_space<vmem>>, %arg10: memref<2x!tpu.dma_semaphore, #tpu.memory_space<semaphore_mem>>) attributes {dimension_semantics = [#tpu.dimension_semantics<core_parallel>, #tpu.dimension_semantics<subcore_parallel>], iteration_bounds = array<i64: 2, 16>, scalar_prefetch = 0 : i64, scratch_operands = 5 : i64, tpu.core_type = #tpu.core_type<sc_vector_subcore>, window_params = [{transform_indices = #map}, {transform_indices = #map1}, {transform_indices = #map1}, {transform_indices = #map1}]} {
    "tpu.region"() ({
      %run_scoped3A = tpu.sem_alloc : memref<!tpu.dma_semaphore, #tpu.memory_space<semaphore_mem>>
      tpu.enqueue_dma source(%arg2 : memref<64xi32, #tpu.memory_space<hbm>>) target(%arg8 : memref<64xi32, #tpu.memory_space<vmem>>) target_semaphore(%run_scoped3A : memref<!tpu.dma_semaphore, #tpu.memory_space<semaphore_mem>>)
      tpu.wait_dma2 semaphore(%run_scoped3A : memref<!tpu.dma_semaphore, #tpu.memory_space<semaphore_mem>>) src(%arg2 : memref<64xi32, #tpu.memory_space<hbm>>) dst(%arg8 : memref<64xi32, #tpu.memory_space<vmem>>)
      tpu.yield
    }) : () -> ()
    %scan3A = arith.constant 0 : i32
    %scan3A_0 = arith.constant 4 : i32
    %scan3A_1 = arith.addi %scan3A, %scan3A_0 : i32
    %scan3A_2 = arith.constant 1 : i32
    scf.for %scan3A_63 = %scan3A to %scan3A_1 step %scan3A_2  : i32 {
      %mul3A_64 = arith.constant 1 : i32
      %mul3A_65 = arith.muli %scan3A_63, %mul3A_64 : i32
      %add3A_66 = arith.constant 0 : i32
      %add3A_67 = arith.addi %add3A_66, %mul3A_65 : i32
      %mul3A_68 = arith.constant 16 : i32
      %mul3A_69 = arith.muli %add3A_67, %mul3A_68 : i32
      %get3A = arith.index_cast %mul3A_69 : i32 to index
      %get3A_70 = tpu.vector_load %arg8[%get3A] {strides = array<i32>} : memref<64xi32, #tpu.memory_space<vmem>>, vector<16xi32>,
      %get3A_71 = vector.shape_cast %get3A_70 : vector<16xi32> to vector<16xi32>
      %slice3A = vector.extract_strided_slice %get3A_71 {offsets = [0], sizes = [1], strides = [1]} : vector<16xi32> to vector<1xi32>
      %squeeze3A = vector.extract %slice3A[0] : i32 from vector<1xi32>
      %mul3A_72 = arith.constant 16 : i32
      %mul3A_73 = arith.muli %add3A_67, %mul3A_72 : i32
      %add3A_74 = arith.constant 0 : i32
      %add3A_75 = arith.addi %mul3A_73, %add3A_74 : i32
      %swap3A = arith.index_cast %add3A_75 : i32 to index
      %swap3A_76 = memref.load %arg6[%swap3A] : memref<64xi32, #tpu.memory_space<smem>>
      memref.store %squeeze3A, %arg6[%swap3A] : memref<64xi32, #tpu.memory_space<smem>>
      %slice3A_77 = vector.extract_strided_slice %get3A_71 {offsets = [1], sizes = [1], strides = [1]} : vector<16xi32> to vector<1xi32>
      %squeeze3A_78 = vector.extract %slice3A_77[0] : i32 from vector<1xi32>
      %mul3A_79 = arith.constant 16 : i32
      %mul3A_80 = arith.muli %add3A_67, %mul3A_79 : i32
      %add3A_81 = arith.constant 1 : i32
      %add3A_82 = arith.addi %mul3A_80, %add3A_81 : i32
      %swap3A_83 = arith.index_cast %add3A_82 : i32 to index
      %swap3A_84 = memref.load %arg6[%swap3A_83] : memref<64xi32, #tpu.memory_space<smem>>
      memref.store %squeeze3A_78, %arg6[%swap3A_83] : memref<64xi32, #tpu.memory_space<smem>>
      %slice3A_85 = vector.extract_strided_slice %get3A_71 {offsets = [2], sizes = [1], strides = [1]} : vector<16xi32> to vector<1xi32>
      %squeeze3A_86 = vector.extract %slice3A_85[0] : i32 from vector<1xi32>
      %mul3A_87 = arith.constant 16 : i32
      %mul3A_88 = arith.muli %add3A_67, %mul3A_87 : i32
      %add3A_89 = arith.constant 2 : i32
      %add3A_90 = arith.addi %mul3A_88, %add3A_89 : i32
      %swap3A_91 = arith.index_cast %add3A_90 : i32 to index
      %swap3A_92 = memref.load %arg6[%swap3A_91] : memref<64xi32, #tpu.memory_space<smem>>
      memref.store %squeeze3A_86, %arg6[%swap3A_91] : memref<64xi32, #tpu.memory_space<smem>>
      %slice3A_93 = vector.extract_strided_slice %get3A_71 {offsets = [3], sizes = [1], strides = [1]} : vector<16xi32> to vector<1xi32>
      %squeeze3A_94 = vector.extract %slice3A_93[0] : i32 from vector<1xi32>
      %mul3A_95 = arith.constant 16 : i32
      %mul3A_96 = arith.muli %add3A_67, %mul3A_95 : i32
      %add3A_97 = arith.constant 3 : i32
      %add3A_98 = arith.addi %mul3A_96, %add3A_97 : i32
      %swap3A_99 = arith.index_cast %add3A_98 : i32 to index
      %swap3A_100 = memref.load %arg6[%swap3A_99] : memref<64xi32, #tpu.memory_space<smem>>
      memref.store %squeeze3A_94, %arg6[%swap3A_99] : memref<64xi32, #tpu.memory_space<smem>>
      %slice3A_101 = vector.extract_strided_slice %get3A_71 {offsets = [4], sizes = [1], strides = [1]} : vector<16xi32> to vector<1xi32>
      %squeeze3A_102 = vector.extract %slice3A_101[0] : i32 from vector<1xi32>
      %mul3A_103 = arith.constant 16 : i32
      %mul3A_104 = arith.muli %add3A_67, %mul3A_103 : i32
      %add3A_105 = arith.constant 4 : i32
      %add3A_106 = arith.addi %mul3A_104, %add3A_105 : i32
      %swap3A_107 = arith.index_cast %add3A_106 : i32 to index
      %swap3A_108 = memref.load %arg6[%swap3A_107] : memref<64xi32, #tpu.memory_space<smem>>
      memref.store %squeeze3A_102, %arg6[%swap3A_107] : memref<64xi32, #tpu.memory_space<smem>>
      %slice3A_109 = vector.extract_strided_slice %get3A_71 {offsets = [5], sizes = [1], strides = [1]} : vector<16xi32> to vector<1xi32>
      %squeeze3A_110 = vector.extract %slice3A_109[0] : i32 from vector<1xi32>
      %mul3A_111 = arith.constant 16 : i32
      %mul3A_112 = arith.muli %add3A_67, %mul3A_111 : i32
      %add3A_113 = arith.constant 5 : i32
      %add3A_114 = arith.addi %mul3A_112, %add3A_113 : i32
      %swap3A_115 = arith.index_cast %add3A_114 : i32 to index
      %swap3A_116 = memref.load %arg6[%swap3A_115] : memref<64xi32, #tpu.memory_space<smem>>
      memref.store %squeeze3A_110, %arg6[%swap3A_115] : memref<64xi32, #tpu.memory_space<smem>>
      %slice3A_117 = vector.extract_strided_slice %get3A_71 {offsets = [6], sizes = [1], strides = [1]} : vector<16xi32> to vector<1xi32>
      %squeeze3A_118 = vector.extract %slice3A_117[0] : i32 from vector<1xi32>
      %mul3A_119 = arith.constant 16 : i32
      %mul3A_120 = arith.muli %add3A_67, %mul3A_119 : i32
      %add3A_121 = arith.constant 6 : i32
      %add3A_122 = arith.addi %mul3A_120, %add3A_121 : i32
      %swap3A_123 = arith.index_cast %add3A_122 : i32 to index
      %swap3A_124 = memref.load %arg6[%swap3A_123] : memref<64xi32, #tpu.memory_space<smem>>
      memref.store %squeeze3A_118, %arg6[%swap3A_123] : memref<64xi32, #tpu.memory_space<smem>>
      %slice3A_125 = vector.extract_strided_slice %get3A_71 {offsets = [7], sizes = [1], strides = [1]} : vector<16xi32> to vector<1xi32>
      %squeeze3A_126 = vector.extract %slice3A_125[0] : i32 from vector<1xi32>
      %mul3A_127 = arith.constant 16 : i32
      %mul3A_128 = arith.muli %add3A_67, %mul3A_127 : i32
      %add3A_129 = arith.constant 7 : i32
      %add3A_130 = arith.addi %mul3A_128, %add3A_129 : i32
      %swap3A_131 = arith.index_cast %add3A_130 : i32 to index
      %swap3A_132 = memref.load %arg6[%swap3A_131] : memref<64xi32, #tpu.memory_space<smem>>
      memref.store %squeeze3A_126, %arg6[%swap3A_131] : memref<64xi32, #tpu.memory_space<smem>>
      %slice3A_133 = vector.extract_strided_slice %get3A_71 {offsets = [8], sizes = [1], strides = [1]} : vector<16xi32> to vector<1xi32>
      %squeeze3A_134 = vector.extract %slice3A_133[0] : i32 from vector<1xi32>
      %mul3A_135 = arith.constant 16 : i32
      %mul3A_136 = arith.muli %add3A_67, %mul3A_135 : i32
      %add3A_137 = arith.constant 8 : i32
      %add3A_138 = arith.addi %mul3A_136, %add3A_137 : i32
      %swap3A_139 = arith.index_cast %add3A_138 : i32 to index
      %swap3A_140 = memref.load %arg6[%swap3A_139] : memref<64xi32, #tpu.memory_space<smem>>
      memref.store %squeeze3A_134, %arg6[%swap3A_139] : memref<64xi32, #tpu.memory_space<smem>>
      %slice3A_141 = vector.extract_strided_slice %get3A_71 {offsets = [9], sizes = [1], strides = [1]} : vector<16xi32> to vector<1xi32>
      %squeeze3A_142 = vector.extract %slice3A_141[0] : i32 from vector<1xi32>
      %mul3A_143 = arith.constant 16 : i32
      %mul3A_144 = arith.muli %add3A_67, %mul3A_143 : i32
      %add3A_145 = arith.constant 9 : i32
      %add3A_146 = arith.addi %mul3A_144, %add3A_145 : i32
      %swap3A_147 = arith.index_cast %add3A_146 : i32 to index
      %swap3A_148 = memref.load %arg6[%swap3A_147] : memref<64xi32, #tpu.memory_space<smem>>
      memref.store %squeeze3A_142, %arg6[%swap3A_147] : memref<64xi32, #tpu.memory_space<smem>>
      %slice3A_149 = vector.extract_strided_slice %get3A_71 {offsets = [10], sizes = [1], strides = [1]} : vector<16xi32> to vector<1xi32>
      %squeeze3A_150 = vector.extract %slice3A_149[0] : i32 from vector<1xi32>
      %mul3A_151 = arith.constant 16 : i32
      %mul3A_152 = arith.muli %add3A_67, %mul3A_151 : i32
      %add3A_153 = arith.constant 10 : i32
      %add3A_154 = arith.addi %mul3A_152, %add3A_153 : i32
      %swap3A_155 = arith.index_cast %add3A_154 : i32 to index
      %swap3A_156 = memref.load %arg6[%swap3A_155] : memref<64xi32, #tpu.memory_space<smem>>
      memref.store %squeeze3A_150, %arg6[%swap3A_155] : memref<64xi32, #tpu.memory_space<smem>>
      %slice3A_157 = vector.extract_strided_slice %get3A_71 {offsets = [11], sizes = [1], strides = [1]} : vector<16xi32> to vector<1xi32>
      %squeeze3A_158 = vector.extract %slice3A_157[0] : i32 from vector<1xi32>
      %mul3A_159 = arith.constant 16 : i32
      %mul3A_160 = arith.muli %add3A_67, %mul3A_159 : i32
      %add3A_161 = arith.constant 11 : i32
      %add3A_162 = arith.addi %mul3A_160, %add3A_161 : i32
      %swap3A_163 = arith.index_cast %add3A_162 : i32 to index
      %swap3A_164 = memref.load %arg6[%swap3A_163] : memref<64xi32, #tpu.memory_space<smem>>
      memref.store %squeeze3A_158, %arg6[%swap3A_163] : memref<64xi32, #tpu.memory_space<smem>>
      %slice3A_165 = vector.extract_strided_slice %get3A_71 {offsets = [12], sizes = [1], strides = [1]} : vector<16xi32> to vector<1xi32>
      %squeeze3A_166 = vector.extract %slice3A_165[0] : i32 from vector<1xi32>
      %mul3A_167 = arith.constant 16 : i32
      %mul3A_168 = arith.muli %add3A_67, %mul3A_167 : i32
      %add3A_169 = arith.constant 12 : i32
      %add3A_170 = arith.addi %mul3A_168, %add3A_169 : i32
      %swap3A_171 = arith.index_cast %add3A_170 : i32 to index
      %swap3A_172 = memref.load %arg6[%swap3A_171] : memref<64xi32, #tpu.memory_space<smem>>
      memref.store %squeeze3A_166, %arg6[%swap3A_171] : memref<64xi32, #tpu.memory_space<smem>>
      %slice3A_173 = vector.extract_strided_slice %get3A_71 {offsets = [13], sizes = [1], strides = [1]} : vector<16xi32> to vector<1xi32>
      %squeeze3A_174 = vector.extract %slice3A_173[0] : i32 from vector<1xi32>
      %mul3A_175 = arith.constant 16 : i32
      %mul3A_176 = arith.muli %add3A_67, %mul3A_175 : i32
      %add3A_177 = arith.constant 13 : i32
      %add3A_178 = arith.addi %mul3A_176, %add3A_177 : i32
      %swap3A_179 = arith.index_cast %add3A_178 : i32 to index
      %swap3A_180 = memref.load %arg6[%swap3A_179] : memref<64xi32, #tpu.memory_space<smem>>
      memref.store %squeeze3A_174, %arg6[%swap3A_179] : memref<64xi32, #tpu.memory_space<smem>>
      %slice3A_181 = vector.extract_strided_slice %get3A_71 {offsets = [14], sizes = [1], strides = [1]} : vector<16xi32> to vector<1xi32>
      %squeeze3A_182 = vector.extract %slice3A_181[0] : i32 from vector<1xi32>
      %mul3A_183 = arith.constant 16 : i32
      %mul3A_184 = arith.muli %add3A_67, %mul3A_183 : i32
      %add3A_185 = arith.constant 14 : i32
      %add3A_186 = arith.addi %mul3A_184, %add3A_185 : i32
      %swap3A_187 = arith.index_cast %add3A_186 : i32 to index
      %swap3A_188 = memref.load %arg6[%swap3A_187] : memref<64xi32, #tpu.memory_space<smem>>
      memref.store %squeeze3A_182, %arg6[%swap3A_187] : memref<64xi32, #tpu.memory_space<smem>>
      %slice3A_189 = vector.extract_strided_slice %get3A_71 {offsets = [15], sizes = [1], strides = [1]} : vector<16xi32> to vector<1xi32>
      %squeeze3A_190 = vector.extract %slice3A_189[0] : i32 from vector<1xi32>
      %mul3A_191 = arith.constant 16 : i32
      %mul3A_192 = arith.muli %add3A_67, %mul3A_191 : i32
      %add3A_193 = arith.constant 15 : i32
      %add3A_194 = arith.addi %mul3A_192, %add3A_193 : i32
      %swap3A_195 = arith.index_cast %add3A_194 : i32 to index
      %swap3A_196 = memref.load %arg6[%swap3A_195] : memref<64xi32, #tpu.memory_space<smem>>
      memref.store %squeeze3A_190, %arg6[%swap3A_195] : memref<64xi32, #tpu.memory_space<smem>>
    }
    %scan3A_3 = arith.constant 4 : i32
    %scan3A_4 = arith.constant 0 : i32
    %scan3A_5 = arith.constant 256 : i32
    %scan3A_6 = arith.addi %scan3A_4, %scan3A_5 : i32
    %scan3A_7 = arith.constant 1 : i32
    scf.for %scan3A_63 = %scan3A_4 to %scan3A_6 step %scan3A_7  : i32 {
      %mul3A_64 = arith.constant 1 : i32
      %mul3A_65 = arith.muli %scan3A_63, %mul3A_64 : i32
      %add3A_66 = arith.constant 0 : i32
      %add3A_67 = arith.addi %add3A_66, %mul3A_65 : i32
      %swap3A = arith.constant -1 : i32
      %swap3A_68 = arith.index_cast %add3A_67 : i32 to index
      %swap3A_69 = memref.load %arg7[%swap3A_68] : memref<256xi32, #tpu.memory_space<smem>>
      memref.store %swap3A, %arg7[%swap3A_68] : memref<256xi32, #tpu.memory_space<smem>>
    }
    %scan3A_8 = arith.constant 256 : i32
    %scan3A_9 = arith.constant 0 : i32
    %scan3A_10 = arith.constant 64 : i32
    %scan3A_11 = arith.addi %scan3A_9, %scan3A_10 : i32
    %scan3A_12 = arith.constant 1 : i32
    scf.for %scan3A_63 = %scan3A_9 to %scan3A_11 step %scan3A_12  : i32 {
      %mul3A_64 = arith.constant 1 : i32
      %mul3A_65 = arith.muli %scan3A_63, %mul3A_64 : i32
      %add3A_66 = arith.constant 0 : i32
      %add3A_67 = arith.addi %add3A_66, %mul3A_65 : i32
      %get3A = arith.index_cast %add3A_67 : i32 to index
      %get3A_68 = memref.load %arg6[%get3A] : memref<64xi32, #tpu.memory_space<smem>>
      %swap3A = arith.index_cast %get3A_68 : i32 to index
      %swap3A_69 = memref.load %arg7[%swap3A] : memref<256xi32, #tpu.memory_space<smem>>
      memref.store %add3A_67, %arg7[%swap3A] : memref<256xi32, #tpu.memory_space<smem>>
    }
    %scan3A_13 = arith.constant 64 : i32
    %mul3A = arith.constant 16 : i32
    %mul3A_14 = arith.muli %arg0, %mul3A : i32
    %add3A = arith.addi %mul3A_14, %arg1 : i32
    %mul3A_15 = arith.constant 8 : i32
    %mul3A_16 = arith.muli %add3A, %mul3A_15 : i32
    %scan3A_17 = arith.constant 0 : i32
    %scan3A_18 = arith.constant 16 : i32
    %scan3A_19 = arith.addi %scan3A_17, %scan3A_18 : i32
    %scan3A_20 = arith.constant 1 : i32
    scf.for %scan3A_63 = %scan3A_17 to %scan3A_19 step %scan3A_20  : i32 {
      %mul3A_64 = arith.constant 2 : i32
      %mul3A_65 = arith.muli %scan3A_63, %mul3A_64 : i32
      %add3A_66 = arith.constant 0 : i32
      %add3A_67 = arith.addi %add3A_66, %mul3A_65 : i32
      %add3A_68 = arith.constant 0 : i32
      %add3A_69 = arith.addi %add3A_67, %add3A_68 : i32
      %jit3A = arith.constant 4 : i32
      %div3A = arith.divsi %add3A_69, %jit3A : i32
      %sign3A = arith.constant 0 : i32
      %sign3A_70 = arith.cmpi sgt, %add3A_69, %sign3A : i32
      %sign3A_71 = arith.extui %sign3A_70 : i1 to i32
      %sign3A_72 = arith.constant 0 : i32
      %sign3A_73 = arith.cmpi slt, %add3A_69, %sign3A_72 : i32
      %sign3A_74 = arith.extui %sign3A_73 : i1 to i32
      %sign3A_75 = arith.subi %sign3A_71, %sign3A_74 : i32
      %sign3A_76 = arith.constant 0 : i32
      %sign3A_77 = arith.cmpi sgt, %jit3A, %sign3A_76 : i32
      %sign3A_78 = arith.extui %sign3A_77 : i1 to i32
      %sign3A_79 = arith.constant 0 : i32
      %sign3A_80 = arith.cmpi slt, %jit3A, %sign3A_79 : i32
      %sign3A_81 = arith.extui %sign3A_80 : i1 to i32
      %sign3A_82 = arith.subi %sign3A_78, %sign3A_81 : i32
      %ne3A = arith.cmpi ne, %sign3A_75, %sign3A_82 : i32
      %rem3A = arith.remsi %add3A_69, %jit3A : i32
      %ne3A_83 = arith.constant 0 : i32
      %ne3A_84 = arith.cmpi ne, %rem3A, %ne3A_83 : i32
      %and3A = arith.andi %ne3A, %ne3A_84 : i1
      %sub3A = arith.constant 1 : i32
      %sub3A_85 = arith.subi %div3A, %sub3A : i32
      %select_n3A = arith.select %and3A, %sub3A_85, %div3A : i32
      %add3A_86 = arith.addi %mul3A_16, %select_n3A : i32
      %jit3A_87 = arith.constant 4 : i32
      %eq3A = arith.constant 0 : i32
      %eq3A_88 = arith.cmpi eq, %jit3A_87, %eq3A : i32
      %jit3A_89 = arith.constant 1 : i32
      %select_n3A_90 = arith.select %eq3A_88, %jit3A_89, %jit3A_87 : i32
      %rem3A_91 = arith.remsi %add3A_69, %select_n3A_90 : i32
      %ne3A_92 = arith.constant 0 : i32
      %ne3A_93 = arith.cmpi ne, %rem3A_91, %ne3A_92 : i32
      %lt3A = arith.constant 0 : i32
      %lt3A_94 = arith.cmpi slt, %rem3A_91, %lt3A : i32
      %lt3A_95 = arith.constant 0 : i32
      %lt3A_96 = arith.cmpi slt, %select_n3A_90, %lt3A_95 : i32
      %ne3A_97 = arith.xori %lt3A_94, %lt3A_96 : i1
      %and3A_98 = arith.andi %ne3A_97, %ne3A_93 : i1
      %add3A_99 = arith.addi %rem3A_91, %select_n3A_90 : i32
      %select_n3A_100 = arith.select %and3A_98, %add3A_99, %rem3A_91 : i32
      %mul3A_101 = arith.constant 32 : i32
      %mul3A_102 = arith.muli %select_n3A_100, %mul3A_101 : i32
      %ge3A = arith.constant 2 : i32
      %ge3A_103 = arith.cmpi sge, %add3A_69, %ge3A : i32
      %convert_element_type3A = arith.extui %ge3A_103 : i1 to i32
      %cond3A = arith.constant 0 : i32
      %cond3A_104 = arith.cmpi ne, %convert_element_type3A, %cond3A : i32
      scf.if %cond3A_104 {
        %dma_wait3A_299 = arith.constant 0 : i32
        %dma_wait3A_300 = arith.constant 0 : i32
        %dma_wait3A_301 = arith.constant 0 : i32
        %dma_wait3A_302 = arith.constant 0 : i32
        %dma_wait3A_303 = arith.constant 0 : i32
        %dma_wait3A_304 = tpu.memref_slice %arg9[%dma_wait3A_299, %dma_wait3A_302, %dma_wait3A_303] : memref<2x32x1024xf32, #tpu.memory_space<vmem>> -> memref<1x32x1024xf32, #tpu.memory_space<vmem>>
        %dma_wait3A_305 = tpu.memref_squeeze %dma_wait3A_304 : memref<1x32x1024xf32, #tpu.memory_space<vmem>> -> memref<32x1024xf32, #tpu.memory_space<vmem>>
        %dma_wait3A_306 = arith.constant 0 : i32
        %dma_wait3A_307 = arith.constant 0 : i32
        %dma_wait3A_308 = tpu.memref_slice %arg5[%dma_wait3A_300, %dma_wait3A_306, %dma_wait3A_307] : memref<256x128x1024xf32, #tpu.memory_space<hbm>> -> memref<1x32x1024xf32, #tpu.memory_space<hbm>>
        %dma_wait3A_309 = tpu.memref_squeeze %dma_wait3A_308 : memref<1x32x1024xf32, #tpu.memory_space<hbm>> -> memref<32x1024xf32, #tpu.memory_space<hbm>>
        %dma_wait3A_310 = tpu.memref_slice %arg10[%dma_wait3A_301] : memref<2x!tpu.dma_semaphore, #tpu.memory_space<semaphore_mem>> -> memref<1x!tpu.dma_semaphore, #tpu.memory_space<semaphore_mem>>
        %dma_wait3A_311 = tpu.memref_squeeze %dma_wait3A_310 : memref<1x!tpu.dma_semaphore, #tpu.memory_space<semaphore_mem>> -> memref<!tpu.dma_semaphore, #tpu.memory_space<semaphore_mem>>
        %dma_wait3A_312 = arith.constant 0 : i32
        %dma_wait3A_313 = arith.constant 0 : i32
        %dma_wait3A_314 = tpu.memref_slice %arg5[%dma_wait3A_300, %dma_wait3A_312, %dma_wait3A_313] : memref<256x128x1024xf32, #tpu.memory_space<hbm>> -> memref<1x32x1024xf32, #tpu.memory_space<hbm>>
        %dma_wait3A_315 = tpu.memref_squeeze %dma_wait3A_314 : memref<1x32x1024xf32, #tpu.memory_space<hbm>> -> memref<32x1024xf32, #tpu.memory_space<hbm>>
        %dma_wait3A_316 = arith.constant 0 : i32
        %dma_wait3A_317 = arith.constant 0 : i32
        %dma_wait3A_318 = tpu.memref_slice %arg9[%dma_wait3A_299, %dma_wait3A_316, %dma_wait3A_317] : memref<2x32x1024xf32, #tpu.memory_space<vmem>> -> memref<1x32x1024xf32, #tpu.memory_space<vmem>>
        %dma_wait3A_319 = tpu.memref_squeeze %dma_wait3A_318 : memref<1x32x1024xf32, #tpu.memory_space<vmem>> -> memref<32x1024xf32, #tpu.memory_space<vmem>>
        tpu.wait_dma2 semaphore(%dma_wait3A_311 : memref<!tpu.dma_semaphore, #tpu.memory_space<semaphore_mem>>) src(%dma_wait3A_319 : memref<32x1024xf32, #tpu.memory_space<vmem>>) dst(%dma_wait3A_315 : memref<32x1024xf32, #tpu.memory_space<hbm>>)
      } else {
      }
      %jit3A_105 = arith.constant 4 : i32
      %div3A_106 = arith.divsi %add3A_69, %jit3A_105 : i32
      %sign3A_107 = arith.constant 0 : i32
      %sign3A_108 = arith.cmpi sgt, %add3A_69, %sign3A_107 : i32
      %sign3A_109 = arith.extui %sign3A_108 : i1 to i32
      %sign3A_110 = arith.constant 0 : i32
      %sign3A_111 = arith.cmpi slt, %add3A_69, %sign3A_110 : i32
      %sign3A_112 = arith.extui %sign3A_111 : i1 to i32
      %sign3A_113 = arith.subi %sign3A_109, %sign3A_112 : i32
      %sign3A_114 = arith.constant 0 : i32
      %sign3A_115 = arith.cmpi sgt, %jit3A_105, %sign3A_114 : i32
      %sign3A_116 = arith.extui %sign3A_115 : i1 to i32
      %sign3A_117 = arith.constant 0 : i32
      %sign3A_118 = arith.cmpi slt, %jit3A_105, %sign3A_117 : i32
      %sign3A_119 = arith.extui %sign3A_118 : i1 to i32
      %sign3A_120 = arith.subi %sign3A_116, %sign3A_119 : i32
      %ne3A_121 = arith.cmpi ne, %sign3A_113, %sign3A_120 : i32
      %rem3A_122 = arith.remsi %add3A_69, %jit3A_105 : i32
      %ne3A_123 = arith.constant 0 : i32
      %ne3A_124 = arith.cmpi ne, %rem3A_122, %ne3A_123 : i32
      %and3A_125 = arith.andi %ne3A_121, %ne3A_124 : i1
      %sub3A_126 = arith.constant 1 : i32
      %sub3A_127 = arith.subi %div3A_106, %sub3A_126 : i32
      %select_n3A_128 = arith.select %and3A_125, %sub3A_127, %div3A_106 : i32
      %add3A_129 = arith.addi %mul3A_16, %select_n3A_128 : i32
      %jit3A_130 = arith.constant 4 : i32
      %eq3A_131 = arith.constant 0 : i32
      %eq3A_132 = arith.cmpi eq, %jit3A_130, %eq3A_131 : i32
      %jit3A_133 = arith.constant 1 : i32
      %select_n3A_134 = arith.select %eq3A_132, %jit3A_133, %jit3A_130 : i32
      %rem3A_135 = arith.remsi %add3A_69, %select_n3A_134 : i32
      %ne3A_136 = arith.constant 0 : i32
      %ne3A_137 = arith.cmpi ne, %rem3A_135, %ne3A_136 : i32
      %lt3A_138 = arith.constant 0 : i32
      %lt3A_139 = arith.cmpi slt, %rem3A_135, %lt3A_138 : i32
      %lt3A_140 = arith.constant 0 : i32
      %lt3A_141 = arith.cmpi slt, %select_n3A_134, %lt3A_140 : i32
      %ne3A_142 = arith.xori %lt3A_139, %lt3A_141 : i1
      %and3A_143 = arith.andi %ne3A_142, %ne3A_137 : i1
      %add3A_144 = arith.addi %rem3A_135, %select_n3A_134 : i32
      %select_n3A_145 = arith.select %and3A_143, %add3A_144, %rem3A_135 : i32
      %mul3A_146 = arith.constant 32 : i32
      %mul3A_147 = arith.muli %select_n3A_145, %mul3A_146 : i32
      %get3A = arith.index_cast %add3A_129 : i32 to index
      %get3A_148 = memref.load %arg7[%get3A] : memref<256xi32, #tpu.memory_space<smem>>
      %ge3A_149 = arith.constant 0 : i32
      %ge3A_150 = arith.cmpi sge, %get3A_148, %ge3A_149 : i32
      %convert_element_type3A_151 = arith.extui %ge3A_150 : i1 to i32
      %cond3A_152 = arith.constant 0 : i32
      %cond3A_153 = arith.cmpi ne, %convert_element_type3A_151, %cond3A_152 : i32
      scf.if %cond3A_153 {
        %run_scoped3A = arith.constant 0 : i32
        "tpu.region"() ({
          %run_scoped3A_299 = tpu.sem_alloc : memref<!tpu.dma_semaphore, #tpu.memory_space<semaphore_mem>>
          %dma_start3A_300 = arith.constant 0 : i32
          %dma_start3A_301 = arith.constant 0 : i32
          %dma_start3A_302 = tpu.memref_slice %arg9[%run_scoped3A, %dma_start3A_300, %dma_start3A_301] : memref<2x32x1024xf32, #tpu.memory_space<vmem>> -> memref<1x32x1024xf32, #tpu.memory_space<vmem>>
          %dma_start3A_303 = tpu.memref_squeeze %dma_start3A_302 : memref<1x32x1024xf32, #tpu.memory_space<vmem>> -> memref<32x1024xf32, #tpu.memory_space<vmem>>
          %dma_start3A_304 = arith.constant 0 : i32
          %dma_start3A_305 = tpu.memref_slice %arg3[%get3A_148, %mul3A_147, %dma_start3A_304] : memref<64x128x1024xf32, #tpu.memory_space<hbm>> -> memref<1x32x1024xf32, #tpu.memory_space<hbm>>
          %dma_start3A_306 = tpu.memref_squeeze %dma_start3A_305 : memref<1x32x1024xf32, #tpu.memory_space<hbm>> -> memref<32x1024xf32, #tpu.memory_space<hbm>>
          %dma_start3A_307 = arith.constant 0 : i32
          %dma_start3A_308 = arith.constant 0 : i32
          %dma_start3A_309 = tpu.memref_slice %arg9[%run_scoped3A, %dma_start3A_307, %dma_start3A_308] : memref<2x32x1024xf32, #tpu.memory_space<vmem>> -> memref<1x32x1024xf32, #tpu.memory_space<vmem>>
          %dma_start3A_310 = tpu.memref_squeeze %dma_start3A_309 : memref<1x32x1024xf32, #tpu.memory_space<vmem>> -> memref<32x1024xf32, #tpu.memory_space<vmem>>
          %dma_start3A_311 = arith.constant 0 : i32
          %dma_start3A_312 = tpu.memref_slice %arg3[%get3A_148, %mul3A_147, %dma_start3A_311] : memref<64x128x1024xf32, #tpu.memory_space<hbm>> -> memref<1x32x1024xf32, #tpu.memory_space<hbm>>
          %dma_start3A_313 = tpu.memref_squeeze %dma_start3A_312 : memref<1x32x1024xf32, #tpu.memory_space<hbm>> -> memref<32x1024xf32, #tpu.memory_space<hbm>>
          tpu.enqueue_dma source(%dma_start3A_313 : memref<32x1024xf32, #tpu.memory_space<hbm>>) target(%dma_start3A_310 : memref<32x1024xf32, #tpu.memory_space<vmem>>) target_semaphore(%run_scoped3A_299 : memref<!tpu.dma_semaphore, #tpu.memory_space<semaphore_mem>>)
          %dma_wait3A_314 = arith.constant 0 : i32
          %dma_wait3A_315 = arith.constant 0 : i32
          %dma_wait3A_316 = tpu.memref_slice %arg9[%run_scoped3A, %dma_wait3A_314, %dma_wait3A_315] : memref<2x32x1024xf32, #tpu.memory_space<vmem>> -> memref<1x32x1024xf32, #tpu.memory_space<vmem>>
          %dma_wait3A_317 = tpu.memref_squeeze %dma_wait3A_316 : memref<1x32x1024xf32, #tpu.memory_space<vmem>> -> memref<32x1024xf32, #tpu.memory_space<vmem>>
          %dma_wait3A_318 = arith.constant 0 : i32
          %dma_wait3A_319 = tpu.memref_slice %arg3[%get3A_148, %mul3A_147, %dma_wait3A_318] : memref<64x128x1024xf32, #tpu.memory_space<hbm>> -> memref<1x32x1024xf32, #tpu.memory_space<hbm>>
          %dma_wait3A_320 = tpu.memref_squeeze %dma_wait3A_319 : memref<1x32x1024xf32, #tpu.memory_space<hbm>> -> memref<32x1024xf32, #tpu.memory_space<hbm>>
          %dma_wait3A_321 = arith.constant 0 : i32
          %dma_wait3A_322 = arith.constant 0 : i32
          %dma_wait3A_323 = tpu.memref_slice %arg9[%run_scoped3A, %dma_wait3A_321, %dma_wait3A_322] : memref<2x32x1024xf32, #tpu.memory_space<vmem>> -> memref<1x32x1024xf32, #tpu.memory_space<vmem>>
          %dma_wait3A_324 = tpu.memref_squeeze %dma_wait3A_323 : memref<1x32x1024xf32, #tpu.memory_space<vmem>> -> memref<32x1024xf32, #tpu.memory_space<vmem>>
          %dma_wait3A_325 = arith.constant 0 : i32
          %dma_wait3A_326 = tpu.memref_slice %arg3[%get3A_148, %mul3A_147, %dma_wait3A_325] : memref<64x128x1024xf32, #tpu.memory_space<hbm>> -> memref<1x32x1024xf32, #tpu.memory_space<hbm>>
          %dma_wait3A_327 = tpu.memref_squeeze %dma_wait3A_326 : memref<1x32x1024xf32, #tpu.memory_space<hbm>> -> memref<32x1024xf32, #tpu.memory_space<hbm>>
          tpu.wait_dma2 semaphore(%run_scoped3A_299 : memref<!tpu.dma_semaphore, #tpu.memory_space<semaphore_mem>>) src(%dma_wait3A_327 : memref<32x1024xf32, #tpu.memory_space<hbm>>) dst(%dma_wait3A_324 : memref<32x1024xf32, #tpu.memory_space<vmem>>)
          tpu.yield
        }) : () -> ()
      } else {
      }
      %lt3A_154 = arith.constant 0 : i32
      %lt3A_155 = arith.cmpi slt, %get3A_148, %lt3A_154 : i32
      %convert_element_type3A_156 = arith.extui %lt3A_155 : i1 to i32
      %cond3A_157 = arith.constant 0 : i32
      %cond3A_158 = arith.cmpi ne, %convert_element_type3A_156, %cond3A_157 : i32
      scf.if %cond3A_158 {
        %run_scoped3A = arith.constant 0 : i32
        "tpu.region"() ({
          %run_scoped3A_299 = tpu.sem_alloc : memref<!tpu.dma_semaphore, #tpu.memory_space<semaphore_mem>>
          %dma_start3A_300 = arith.constant 0 : i32
          %dma_start3A_301 = arith.constant 0 : i32
          %dma_start3A_302 = tpu.memref_slice %arg9[%run_scoped3A, %dma_start3A_300, %dma_start3A_301] : memref<2x32x1024xf32, #tpu.memory_space<vmem>> -> memref<1x32x1024xf32, #tpu.memory_space<vmem>>
          %dma_start3A_303 = tpu.memref_squeeze %dma_start3A_302 : memref<1x32x1024xf32, #tpu.memory_space<vmem>> -> memref<32x1024xf32, #tpu.memory_space<vmem>>
          %dma_start3A_304 = arith.constant 0 : i32
          %dma_start3A_305 = tpu.memref_slice %arg4[%add3A_129, %mul3A_147, %dma_start3A_304] : memref<256x128x1024xf32, #tpu.memory_space<hbm>> -> memref<1x32x1024xf32, #tpu.memory_space<hbm>>
          %dma_start3A_306 = tpu.memref_squeeze %dma_start3A_305 : memref<1x32x1024xf32, #tpu.memory_space<hbm>> -> memref<32x1024xf32, #tpu.memory_space<hbm>>
          %dma_start3A_307 = arith.constant 0 : i32
          %dma_start3A_308 = arith.constant 0 : i32
          %dma_start3A_309 = tpu.memref_slice %arg9[%run_scoped3A, %dma_start3A_307, %dma_start3A_308] : memref<2x32x1024xf32, #tpu.memory_space<vmem>> -> memref<1x32x1024xf32, #tpu.memory_space<vmem>>
          %dma_start3A_310 = tpu.memref_squeeze %dma_start3A_309 : memref<1x32x1024xf32, #tpu.memory_space<vmem>> -> memref<32x1024xf32, #tpu.memory_space<vmem>>
          %dma_start3A_311 = arith.constant 0 : i32
          %dma_start3A_312 = tpu.memref_slice %arg4[%add3A_129, %mul3A_147, %dma_start3A_311] : memref<256x128x1024xf32, #tpu.memory_space<hbm>> -> memref<1x32x1024xf32, #tpu.memory_space<hbm>>
          %dma_start3A_313 = tpu.memref_squeeze %dma_start3A_312 : memref<1x32x1024xf32, #tpu.memory_space<hbm>> -> memref<32x1024xf32, #tpu.memory_space<hbm>>
          tpu.enqueue_dma source(%dma_start3A_313 : memref<32x1024xf32, #tpu.memory_space<hbm>>) target(%dma_start3A_310 : memref<32x1024xf32, #tpu.memory_space<vmem>>) target_semaphore(%run_scoped3A_299 : memref<!tpu.dma_semaphore, #tpu.memory_space<semaphore_mem>>)
          %dma_wait3A_314 = arith.constant 0 : i32
          %dma_wait3A_315 = arith.constant 0 : i32
          %dma_wait3A_316 = tpu.memref_slice %arg9[%run_scoped3A, %dma_wait3A_314, %dma_wait3A_315] : memref<2x32x1024xf32, #tpu.memory_space<vmem>> -> memref<1x32x1024xf32, #tpu.memory_space<vmem>>
          %dma_wait3A_317 = tpu.memref_squeeze %dma_wait3A_316 : memref<1x32x1024xf32, #tpu.memory_space<vmem>> -> memref<32x1024xf32, #tpu.memory_space<vmem>>
          %dma_wait3A_318 = arith.constant 0 : i32
          %dma_wait3A_319 = tpu.memref_slice %arg4[%add3A_129, %mul3A_147, %dma_wait3A_318] : memref<256x128x1024xf32, #tpu.memory_space<hbm>> -> memref<1x32x1024xf32, #tpu.memory_space<hbm>>
          %dma_wait3A_320 = tpu.memref_squeeze %dma_wait3A_319 : memref<1x32x1024xf32, #tpu.memory_space<hbm>> -> memref<32x1024xf32, #tpu.memory_space<hbm>>
          %dma_wait3A_321 = arith.constant 0 : i32
          %dma_wait3A_322 = arith.constant 0 : i32
          %dma_wait3A_323 = tpu.memref_slice %arg9[%run_scoped3A, %dma_wait3A_321, %dma_wait3A_322] : memref<2x32x1024xf32, #tpu.memory_space<vmem>> -> memref<1x32x1024xf32, #tpu.memory_space<vmem>>
          %dma_wait3A_324 = tpu.memref_squeeze %dma_wait3A_323 : memref<1x32x1024xf32, #tpu.memory_space<vmem>> -> memref<32x1024xf32, #tpu.memory_space<vmem>>
          %dma_wait3A_325 = arith.constant 0 : i32
          %dma_wait3A_326 = tpu.memref_slice %arg4[%add3A_129, %mul3A_147, %dma_wait3A_325] : memref<256x128x1024xf32, #tpu.memory_space<hbm>> -> memref<1x32x1024xf32, #tpu.memory_space<hbm>>
          %dma_wait3A_327 = tpu.memref_squeeze %dma_wait3A_326 : memref<1x32x1024xf32, #tpu.memory_space<hbm>> -> memref<32x1024xf32, #tpu.memory_space<hbm>>
          tpu.wait_dma2 semaphore(%run_scoped3A_299 : memref<!tpu.dma_semaphore, #tpu.memory_space<semaphore_mem>>) src(%dma_wait3A_327 : memref<32x1024xf32, #tpu.memory_space<hbm>>) dst(%dma_wait3A_324 : memref<32x1024xf32, #tpu.memory_space<vmem>>)
          tpu.yield
        }) : () -> ()
      } else {
      }
      %dma_start3A = arith.constant 0 : i32
      %dma_start3A_159 = arith.constant 0 : i32
      %dma_start3A_160 = arith.constant 0 : i32
      %dma_start3A_161 = arith.constant 0 : i32
      %dma_start3A_162 = tpu.memref_slice %arg9[%dma_start3A, %dma_start3A_160, %dma_start3A_161] : memref<2x32x1024xf32, #tpu.memory_space<vmem>> -> memref<1x32x1024xf32, #tpu.memory_space<vmem>>
      %dma_start3A_163 = tpu.memref_squeeze %dma_start3A_162 : memref<1x32x1024xf32, #tpu.memory_space<vmem>> -> memref<32x1024xf32, #tpu.memory_space<vmem>>
      %dma_start3A_164 = arith.constant 0 : i32
      %dma_start3A_165 = tpu.memref_slice %arg5[%add3A_86, %mul3A_102, %dma_start3A_164] : memref<256x128x1024xf32, #tpu.memory_space<hbm>> -> memref<1x32x1024xf32, #tpu.memory_space<hbm>>
      %dma_start3A_166 = tpu.memref_squeeze %dma_start3A_165 : memref<1x32x1024xf32, #tpu.memory_space<hbm>> -> memref<32x1024xf32, #tpu.memory_space<hbm>>
      %dma_start3A_167 = tpu.memref_slice %arg10[%dma_start3A_159] : memref<2x!tpu.dma_semaphore, #tpu.memory_space<semaphore_mem>> -> memref<1x!tpu.dma_semaphore, #tpu.memory_space<semaphore_mem>>
      %dma_start3A_168 = tpu.memref_squeeze %dma_start3A_167 : memref<1x!tpu.dma_semaphore, #tpu.memory_space<semaphore_mem>> -> memref<!tpu.dma_semaphore, #tpu.memory_space<semaphore_mem>>
      %dma_start3A_169 = arith.constant 0 : i32
      %dma_start3A_170 = tpu.memref_slice %arg5[%add3A_86, %mul3A_102, %dma_start3A_169] : memref<256x128x1024xf32, #tpu.memory_space<hbm>> -> memref<1x32x1024xf32, #tpu.memory_space<hbm>>
      %dma_start3A_171 = tpu.memref_squeeze %dma_start3A_170 : memref<1x32x1024xf32, #tpu.memory_space<hbm>> -> memref<32x1024xf32, #tpu.memory_space<hbm>>
      %dma_start3A_172 = arith.constant 0 : i32
      %dma_start3A_173 = arith.constant 0 : i32
      %dma_start3A_174 = tpu.memref_slice %arg9[%dma_start3A, %dma_start3A_172, %dma_start3A_173] : memref<2x32x1024xf32, #tpu.memory_space<vmem>> -> memref<1x32x1024xf32, #tpu.memory_space<vmem>>
      %dma_start3A_175 = tpu.memref_squeeze %dma_start3A_174 : memref<1x32x1024xf32, #tpu.memory_space<vmem>> -> memref<32x1024xf32, #tpu.memory_space<vmem>>
      tpu.enqueue_dma source(%dma_start3A_175 : memref<32x1024xf32, #tpu.memory_space<vmem>>) target(%dma_start3A_171 : memref<32x1024xf32, #tpu.memory_space<hbm>>) target_semaphore(%dma_start3A_168 : memref<!tpu.dma_semaphore, #tpu.memory_space<semaphore_mem>>)
      %add3A_176 = arith.constant 1 : i32
      %add3A_177 = arith.addi %add3A_67, %add3A_176 : i32
      %jit3A_178 = arith.constant 4 : i32
      %div3A_179 = arith.divsi %add3A_177, %jit3A_178 : i32
      %sign3A_180 = arith.constant 0 : i32
      %sign3A_181 = arith.cmpi sgt, %add3A_177, %sign3A_180 : i32
      %sign3A_182 = arith.extui %sign3A_181 : i1 to i32
      %sign3A_183 = arith.constant 0 : i32
      %sign3A_184 = arith.cmpi slt, %add3A_177, %sign3A_183 : i32
      %sign3A_185 = arith.extui %sign3A_184 : i1 to i32
      %sign3A_186 = arith.subi %sign3A_182, %sign3A_185 : i32
      %sign3A_187 = arith.constant 0 : i32
      %sign3A_188 = arith.cmpi sgt, %jit3A_178, %sign3A_187 : i32
      %sign3A_189 = arith.extui %sign3A_188 : i1 to i32
      %sign3A_190 = arith.constant 0 : i32
      %sign3A_191 = arith.cmpi slt, %jit3A_178, %sign3A_190 : i32
      %sign3A_192 = arith.extui %sign3A_191 : i1 to i32
      %sign3A_193 = arith.subi %sign3A_189, %sign3A_192 : i32
      %ne3A_194 = arith.cmpi ne, %sign3A_186, %sign3A_193 : i32
      %rem3A_195 = arith.remsi %add3A_177, %jit3A_178 : i32
      %ne3A_196 = arith.constant 0 : i32
      %ne3A_197 = arith.cmpi ne, %rem3A_195, %ne3A_196 : i32
      %and3A_198 = arith.andi %ne3A_194, %ne3A_197 : i1
      %sub3A_199 = arith.constant 1 : i32
      %sub3A_200 = arith.subi %div3A_179, %sub3A_199 : i32
      %select_n3A_201 = arith.select %and3A_198, %sub3A_200, %div3A_179 : i32
      %add3A_202 = arith.addi %mul3A_16, %select_n3A_201 : i32
      %jit3A_203 = arith.constant 4 : i32
      %eq3A_204 = arith.constant 0 : i32
      %eq3A_205 = arith.cmpi eq, %jit3A_203, %eq3A_204 : i32
      %jit3A_206 = arith.constant 1 : i32
      %select_n3A_207 = arith.select %eq3A_205, %jit3A_206, %jit3A_203 : i32
      %rem3A_208 = arith.remsi %add3A_177, %select_n3A_207 : i32
      %ne3A_209 = arith.constant 0 : i32
      %ne3A_210 = arith.cmpi ne, %rem3A_208, %ne3A_209 : i32
      %lt3A_211 = arith.constant 0 : i32
      %lt3A_212 = arith.cmpi slt, %rem3A_208, %lt3A_211 : i32
      %lt3A_213 = arith.constant 0 : i32
      %lt3A_214 = arith.cmpi slt, %select_n3A_207, %lt3A_213 : i32
      %ne3A_215 = arith.xori %lt3A_212, %lt3A_214 : i1
      %and3A_216 = arith.andi %ne3A_215, %ne3A_210 : i1
      %add3A_217 = arith.addi %rem3A_208, %select_n3A_207 : i32
      %select_n3A_218 = arith.select %and3A_216, %add3A_217, %rem3A_208 : i32
      %mul3A_219 = arith.constant 32 : i32
      %mul3A_220 = arith.muli %select_n3A_218, %mul3A_219 : i32
      %ge3A_221 = arith.constant 2 : i32
      %ge3A_222 = arith.cmpi sge, %add3A_177, %ge3A_221 : i32
      %convert_element_type3A_223 = arith.extui %ge3A_222 : i1 to i32
      %cond3A_224 = arith.constant 0 : i32
      %cond3A_225 = arith.cmpi ne, %convert_element_type3A_223, %cond3A_224 : i32
      scf.if %cond3A_225 {
        %dma_wait3A_299 = arith.constant 1 : i32
        %dma_wait3A_300 = arith.constant 0 : i32
        %dma_wait3A_301 = arith.constant 1 : i32
        %dma_wait3A_302 = arith.constant 0 : i32
        %dma_wait3A_303 = arith.constant 0 : i32
        %dma_wait3A_304 = tpu.memref_slice %arg9[%dma_wait3A_299, %dma_wait3A_302, %dma_wait3A_303] : memref<2x32x1024xf32, #tpu.memory_space<vmem>> -> memref<1x32x1024xf32, #tpu.memory_space<vmem>>
        %dma_wait3A_305 = tpu.memref_squeeze %dma_wait3A_304 : memref<1x32x1024xf32, #tpu.memory_space<vmem>> -> memref<32x1024xf32, #tpu.memory_space<vmem>>
        %dma_wait3A_306 = arith.constant 0 : i32
        %dma_wait3A_307 = arith.constant 0 : i32
        %dma_wait3A_308 = tpu.memref_slice %arg5[%dma_wait3A_300, %dma_wait3A_306, %dma_wait3A_307] : memref<256x128x1024xf32, #tpu.memory_space<hbm>> -> memref<1x32x1024xf32, #tpu.memory_space<hbm>>
        %dma_wait3A_309 = tpu.memref_squeeze %dma_wait3A_308 : memref<1x32x1024xf32, #tpu.memory_space<hbm>> -> memref<32x1024xf32, #tpu.memory_space<hbm>>
        %dma_wait3A_310 = tpu.memref_slice %arg10[%dma_wait3A_301] : memref<2x!tpu.dma_semaphore, #tpu.memory_space<semaphore_mem>> -> memref<1x!tpu.dma_semaphore, #tpu.memory_space<semaphore_mem>>
        %dma_wait3A_311 = tpu.memref_squeeze %dma_wait3A_310 : memref<1x!tpu.dma_semaphore, #tpu.memory_space<semaphore_mem>> -> memref<!tpu.dma_semaphore, #tpu.memory_space<semaphore_mem>>
        %dma_wait3A_312 = arith.constant 0 : i32
        %dma_wait3A_313 = arith.constant 0 : i32
        %dma_wait3A_314 = tpu.memref_slice %arg5[%dma_wait3A_300, %dma_wait3A_312, %dma_wait3A_313] : memref<256x128x1024xf32, #tpu.memory_space<hbm>> -> memref<1x32x1024xf32, #tpu.memory_space<hbm>>
        %dma_wait3A_315 = tpu.memref_squeeze %dma_wait3A_314 : memref<1x32x1024xf32, #tpu.memory_space<hbm>> -> memref<32x1024xf32, #tpu.memory_space<hbm>>
        %dma_wait3A_316 = arith.constant 0 : i32
        %dma_wait3A_317 = arith.constant 0 : i32
        %dma_wait3A_318 = tpu.memref_slice %arg9[%dma_wait3A_299, %dma_wait3A_316, %dma_wait3A_317] : memref<2x32x1024xf32, #tpu.memory_space<vmem>> -> memref<1x32x1024xf32, #tpu.memory_space<vmem>>
        %dma_wait3A_319 = tpu.memref_squeeze %dma_wait3A_318 : memref<1x32x1024xf32, #tpu.memory_space<vmem>> -> memref<32x1024xf32, #tpu.memory_space<vmem>>
        tpu.wait_dma2 semaphore(%dma_wait3A_311 : memref<!tpu.dma_semaphore, #tpu.memory_space<semaphore_mem>>) src(%dma_wait3A_319 : memref<32x1024xf32, #tpu.memory_space<vmem>>) dst(%dma_wait3A_315 : memref<32x1024xf32, #tpu.memory_space<hbm>>)
      } else {
      }
      %jit3A_226 = arith.constant 4 : i32
      %div3A_227 = arith.divsi %add3A_177, %jit3A_226 : i32
      %sign3A_228 = arith.constant 0 : i32
      %sign3A_229 = arith.cmpi sgt, %add3A_177, %sign3A_228 : i32
      %sign3A_230 = arith.extui %sign3A_229 : i1 to i32
      %sign3A_231 = arith.constant 0 : i32
      %sign3A_232 = arith.cmpi slt, %add3A_177, %sign3A_231 : i32
      %sign3A_233 = arith.extui %sign3A_232 : i1 to i32
      %sign3A_234 = arith.subi %sign3A_230, %sign3A_233 : i32
      %sign3A_235 = arith.constant 0 : i32
      %sign3A_236 = arith.cmpi sgt, %jit3A_226, %sign3A_235 : i32
      %sign3A_237 = arith.extui %sign3A_236 : i1 to i32
      %sign3A_238 = arith.constant 0 : i32
      %sign3A_239 = arith.cmpi slt, %jit3A_226, %sign3A_238 : i32
      %sign3A_240 = arith.extui %sign3A_239 : i1 to i32
      %sign3A_241 = arith.subi %sign3A_237, %sign3A_240 : i32
      %ne3A_242 = arith.cmpi ne, %sign3A_234, %sign3A_241 : i32
      %rem3A_243 = arith.remsi %add3A_177, %jit3A_226 : i32
      %ne3A_244 = arith.constant 0 : i32
      %ne3A_245 = arith.cmpi ne, %rem3A_243, %ne3A_244 : i32
      %and3A_246 = arith.andi %ne3A_242, %ne3A_245 : i1
      %sub3A_247 = arith.constant 1 : i32
      %sub3A_248 = arith.subi %div3A_227, %sub3A_247 : i32
      %select_n3A_249 = arith.select %and3A_246, %sub3A_248, %div3A_227 : i32
      %add3A_250 = arith.addi %mul3A_16, %select_n3A_249 : i32
      %jit3A_251 = arith.constant 4 : i32
      %eq3A_252 = arith.constant 0 : i32
      %eq3A_253 = arith.cmpi eq, %jit3A_251, %eq3A_252 : i32
      %jit3A_254 = arith.constant 1 : i32
      %select_n3A_255 = arith.select %eq3A_253, %jit3A_254, %jit3A_251 : i32
      %rem3A_256 = arith.remsi %add3A_177, %select_n3A_255 : i32
      %ne3A_257 = arith.constant 0 : i32
      %ne3A_258 = arith.cmpi ne, %rem3A_256, %ne3A_257 : i32
      %lt3A_259 = arith.constant 0 : i32
      %lt3A_260 = arith.cmpi slt, %rem3A_256, %lt3A_259 : i32
      %lt3A_261 = arith.constant 0 : i32
      %lt3A_262 = arith.cmpi slt, %select_n3A_255, %lt3A_261 : i32
      %ne3A_263 = arith.xori %lt3A_260, %lt3A_262 : i1
      %and3A_264 = arith.andi %ne3A_263, %ne3A_258 : i1
      %add3A_265 = arith.addi %rem3A_256, %select_n3A_255 : i32
      %select_n3A_266 = arith.select %and3A_264, %add3A_265, %rem3A_256 : i32
      %mul3A_267 = arith.constant 32 : i32
      %mul3A_268 = arith.muli %select_n3A_266, %mul3A_267 : i32
      %get3A_269 = arith.index_cast %add3A_250 : i32 to index
      %get3A_270 = memref.load %arg7[%get3A_269] : memref<256xi32, #tpu.memory_space<smem>>
      %ge3A_271 = arith.constant 0 : i32
      %ge3A_272 = arith.cmpi sge, %get3A_270, %ge3A_271 : i32
      %convert_element_type3A_273 = arith.extui %ge3A_272 : i1 to i32
      %cond3A_274 = arith.constant 0 : i32
      %cond3A_275 = arith.cmpi ne, %convert_element_type3A_273, %cond3A_274 : i32
      scf.if %cond3A_275 {
        %run_scoped3A = arith.constant 1 : i32
        "tpu.region"() ({
          %run_scoped3A_299 = tpu.sem_alloc : memref<!tpu.dma_semaphore, #tpu.memory_space<semaphore_mem>>
          %dma_start3A_300 = arith.constant 0 : i32
          %dma_start3A_301 = arith.constant 0 : i32
          %dma_start3A_302 = tpu.memref_slice %arg9[%run_scoped3A, %dma_start3A_300, %dma_start3A_301] : memref<2x32x1024xf32, #tpu.memory_space<vmem>> -> memref<1x32x1024xf32, #tpu.memory_space<vmem>>
          %dma_start3A_303 = tpu.memref_squeeze %dma_start3A_302 : memref<1x32x1024xf32, #tpu.memory_space<vmem>> -> memref<32x1024xf32, #tpu.memory_space<vmem>>
          %dma_start3A_304 = arith.constant 0 : i32
          %dma_start3A_305 = tpu.memref_slice %arg3[%get3A_270, %mul3A_268, %dma_start3A_304] : memref<64x128x1024xf32, #tpu.memory_space<hbm>> -> memref<1x32x1024xf32, #tpu.memory_space<hbm>>
          %dma_start3A_306 = tpu.memref_squeeze %dma_start3A_305 : memref<1x32x1024xf32, #tpu.memory_space<hbm>> -> memref<32x1024xf32, #tpu.memory_space<hbm>>
          %dma_start3A_307 = arith.constant 0 : i32
          %dma_start3A_308 = arith.constant 0 : i32
          %dma_start3A_309 = tpu.memref_slice %arg9[%run_scoped3A, %dma_start3A_307, %dma_start3A_308] : memref<2x32x1024xf32, #tpu.memory_space<vmem>> -> memref<1x32x1024xf32, #tpu.memory_space<vmem>>
          %dma_start3A_310 = tpu.memref_squeeze %dma_start3A_309 : memref<1x32x1024xf32, #tpu.memory_space<vmem>> -> memref<32x1024xf32, #tpu.memory_space<vmem>>
          %dma_start3A_311 = arith.constant 0 : i32
          %dma_start3A_312 = tpu.memref_slice %arg3[%get3A_270, %mul3A_268, %dma_start3A_311] : memref<64x128x1024xf32, #tpu.memory_space<hbm>> -> memref<1x32x1024xf32, #tpu.memory_space<hbm>>
          %dma_start3A_313 = tpu.memref_squeeze %dma_start3A_312 : memref<1x32x1024xf32, #tpu.memory_space<hbm>> -> memref<32x1024xf32, #tpu.memory_space<hbm>>
          tpu.enqueue_dma source(%dma_start3A_313 : memref<32x1024xf32, #tpu.memory_space<hbm>>) target(%dma_start3A_310 : memref<32x1024xf32, #tpu.memory_space<vmem>>) target_semaphore(%run_scoped3A_299 : memref<!tpu.dma_semaphore, #tpu.memory_space<semaphore_mem>>)
          %dma_wait3A_314 = arith.constant 0 : i32
          %dma_wait3A_315 = arith.constant 0 : i32
          %dma_wait3A_316 = tpu.memref_slice %arg9[%run_scoped3A, %dma_wait3A_314, %dma_wait3A_315] : memref<2x32x1024xf32, #tpu.memory_space<vmem>> -> memref<1x32x1024xf32, #tpu.memory_space<vmem>>
          %dma_wait3A_317 = tpu.memref_squeeze %dma_wait3A_316 : memref<1x32x1024xf32, #tpu.memory_space<vmem>> -> memref<32x1024xf32, #tpu.memory_space<vmem>>
          %dma_wait3A_318 = arith.constant 0 : i32
          %dma_wait3A_319 = tpu.memref_slice %arg3[%get3A_270, %mul3A_268, %dma_wait3A_318] : memref<64x128x1024xf32, #tpu.memory_space<hbm>> -> memref<1x32x1024xf32, #tpu.memory_space<hbm>>
          %dma_wait3A_320 = tpu.memref_squeeze %dma_wait3A_319 : memref<1x32x1024xf32, #tpu.memory_space<hbm>> -> memref<32x1024xf32, #tpu.memory_space<hbm>>
          %dma_wait3A_321 = arith.constant 0 : i32
          %dma_wait3A_322 = arith.constant 0 : i32
          %dma_wait3A_323 = tpu.memref_slice %arg9[%run_scoped3A, %dma_wait3A_321, %dma_wait3A_322] : memref<2x32x1024xf32, #tpu.memory_space<vmem>> -> memref<1x32x1024xf32, #tpu.memory_space<vmem>>
          %dma_wait3A_324 = tpu.memref_squeeze %dma_wait3A_323 : memref<1x32x1024xf32, #tpu.memory_space<vmem>> -> memref<32x1024xf32, #tpu.memory_space<vmem>>
          %dma_wait3A_325 = arith.constant 0 : i32
          %dma_wait3A_326 = tpu.memref_slice %arg3[%get3A_270, %mul3A_268, %dma_wait3A_325] : memref<64x128x1024xf32, #tpu.memory_space<hbm>> -> memref<1x32x1024xf32, #tpu.memory_space<hbm>>
          %dma_wait3A_327 = tpu.memref_squeeze %dma_wait3A_326 : memref<1x32x1024xf32, #tpu.memory_space<hbm>> -> memref<32x1024xf32, #tpu.memory_space<hbm>>
          tpu.wait_dma2 semaphore(%run_scoped3A_299 : memref<!tpu.dma_semaphore, #tpu.memory_space<semaphore_mem>>) src(%dma_wait3A_327 : memref<32x1024xf32, #tpu.memory_space<hbm>>) dst(%dma_wait3A_324 : memref<32x1024xf32, #tpu.memory_space<vmem>>)
          tpu.yield
        }) : () -> ()
      } else {
      }
      %lt3A_276 = arith.constant 0 : i32
      %lt3A_277 = arith.cmpi slt, %get3A_270, %lt3A_276 : i32
      %convert_element_type3A_278 = arith.extui %lt3A_277 : i1 to i32
      %cond3A_279 = arith.constant 0 : i32
      %cond3A_280 = arith.cmpi ne, %convert_element_type3A_278, %cond3A_279 : i32
      scf.if %cond3A_280 {
        %run_scoped3A = arith.constant 1 : i32
        "tpu.region"() ({
          %run_scoped3A_299 = tpu.sem_alloc : memref<!tpu.dma_semaphore, #tpu.memory_space<semaphore_mem>>
          %dma_start3A_300 = arith.constant 0 : i32
          %dma_start3A_301 = arith.constant 0 : i32
          %dma_start3A_302 = tpu.memref_slice %arg9[%run_scoped3A, %dma_start3A_300, %dma_start3A_301] : memref<2x32x1024xf32, #tpu.memory_space<vmem>> -> memref<1x32x1024xf32, #tpu.memory_space<vmem>>
          %dma_start3A_303 = tpu.memref_squeeze %dma_start3A_302 : memref<1x32x1024xf32, #tpu.memory_space<vmem>> -> memref<32x1024xf32, #tpu.memory_space<vmem>>
          %dma_start3A_304 = arith.constant 0 : i32
          %dma_start3A_305 = tpu.memref_slice %arg4[%add3A_250, %mul3A_268, %dma_start3A_304] : memref<256x128x1024xf32, #tpu.memory_space<hbm>> -> memref<1x32x1024xf32, #tpu.memory_space<hbm>>
          %dma_start3A_306 = tpu.memref_squeeze %dma_start3A_305 : memref<1x32x1024xf32, #tpu.memory_space<hbm>> -> memref<32x1024xf32, #tpu.memory_space<hbm>>
          %dma_start3A_307 = arith.constant 0 : i32
          %dma_start3A_308 = arith.constant 0 : i32
          %dma_start3A_309 = tpu.memref_slice %arg9[%run_scoped3A, %dma_start3A_307, %dma_start3A_308] : memref<2x32x1024xf32, #tpu.memory_space<vmem>> -> memref<1x32x1024xf32, #tpu.memory_space<vmem>>
          %dma_start3A_310 = tpu.memref_squeeze %dma_start3A_309 : memref<1x32x1024xf32, #tpu.memory_space<vmem>> -> memref<32x1024xf32, #tpu.memory_space<vmem>>
          %dma_start3A_311 = arith.constant 0 : i32
          %dma_start3A_312 = tpu.memref_slice %arg4[%add3A_250, %mul3A_268, %dma_start3A_311] : memref<256x128x1024xf32, #tpu.memory_space<hbm>> -> memref<1x32x1024xf32, #tpu.memory_space<hbm>>
          %dma_start3A_313 = tpu.memref_squeeze %dma_start3A_312 : memref<1x32x1024xf32, #tpu.memory_space<hbm>> -> memref<32x1024xf32, #tpu.memory_space<hbm>>
          tpu.enqueue_dma source(%dma_start3A_313 : memref<32x1024xf32, #tpu.memory_space<hbm>>) target(%dma_start3A_310 : memref<32x1024xf32, #tpu.memory_space<vmem>>) target_semaphore(%run_scoped3A_299 : memref<!tpu.dma_semaphore, #tpu.memory_space<semaphore_mem>>)
          %dma_wait3A_314 = arith.constant 0 : i32
          %dma_wait3A_315 = arith.constant 0 : i32
          %dma_wait3A_316 = tpu.memref_slice %arg9[%run_scoped3A, %dma_wait3A_314, %dma_wait3A_315] : memref<2x32x1024xf32, #tpu.memory_space<vmem>> -> memref<1x32x1024xf32, #tpu.memory_space<vmem>>
          %dma_wait3A_317 = tpu.memref_squeeze %dma_wait3A_316 : memref<1x32x1024xf32, #tpu.memory_space<vmem>> -> memref<32x1024xf32, #tpu.memory_space<vmem>>
          %dma_wait3A_318 = arith.constant 0 : i32
          %dma_wait3A_319 = tpu.memref_slice %arg4[%add3A_250, %mul3A_268, %dma_wait3A_318] : memref<256x128x1024xf32, #tpu.memory_space<hbm>> -> memref<1x32x1024xf32, #tpu.memory_space<hbm>>
          %dma_wait3A_320 = tpu.memref_squeeze %dma_wait3A_319 : memref<1x32x1024xf32, #tpu.memory_space<hbm>> -> memref<32x1024xf32, #tpu.memory_space<hbm>>
          %dma_wait3A_321 = arith.constant 0 : i32
          %dma_wait3A_322 = arith.constant 0 : i32
          %dma_wait3A_323 = tpu.memref_slice %arg9[%run_scoped3A, %dma_wait3A_321, %dma_wait3A_322] : memref<2x32x1024xf32, #tpu.memory_space<vmem>> -> memref<1x32x1024xf32, #tpu.memory_space<vmem>>
          %dma_wait3A_324 = tpu.memref_squeeze %dma_wait3A_323 : memref<1x32x1024xf32, #tpu.memory_space<vmem>> -> memref<32x1024xf32, #tpu.memory_space<vmem>>
          %dma_wait3A_325 = arith.constant 0 : i32
          %dma_wait3A_326 = tpu.memref_slice %arg4[%add3A_250, %mul3A_268, %dma_wait3A_325] : memref<256x128x1024xf32, #tpu.memory_space<hbm>> -> memref<1x32x1024xf32, #tpu.memory_space<hbm>>
          %dma_wait3A_327 = tpu.memref_squeeze %dma_wait3A_326 : memref<1x32x1024xf32, #tpu.memory_space<hbm>> -> memref<32x1024xf32, #tpu.memory_space<hbm>>
          tpu.wait_dma2 semaphore(%run_scoped3A_299 : memref<!tpu.dma_semaphore, #tpu.memory_space<semaphore_mem>>) src(%dma_wait3A_327 : memref<32x1024xf32, #tpu.memory_space<hbm>>) dst(%dma_wait3A_324 : memref<32x1024xf32, #tpu.memory_space<vmem>>)
          tpu.yield
        }) : () -> ()
      } else {
      }
      %dma_start3A_281 = arith.constant 1 : i32
      %dma_start3A_282 = arith.constant 1 : i32
      %dma_start3A_283 = arith.constant 0 : i32
      %dma_start3A_284 = arith.constant 0 : i32
      %dma_start3A_285 = tpu.memref_slice %arg9[%dma_start3A_281, %dma_start3A_283, %dma_start3A_284] : memref<2x32x1024xf32, #tpu.memory_space<vmem>> -> memref<1x32x1024xf32, #tpu.memory_space<vmem>>
      %dma_start3A_286 = tpu.memref_squeeze %dma_start3A_285 : memref<1x32x1024xf32, #tpu.memory_space<vmem>> -> memref<32x1024xf32, #tpu.memory_space<vmem>>
      %dma_start3A_287 = arith.constant 0 : i32
      %dma_start3A_288 = tpu.memref_slice %arg5[%add3A_202, %mul3A_220, %dma_start3A_287] : memref<256x128x1024xf32, #tpu.memory_space<hbm>> -> memref<1x32x1024xf32, #tpu.memory_space<hbm>>
      %dma_start3A_289 = tpu.memref_squeeze %dma_start3A_288 : memref<1x32x1024xf32, #tpu.memory_space<hbm>> -> memref<32x1024xf32, #tpu.memory_space<hbm>>
      %dma_start3A_290 = tpu.memref_slice %arg10[%dma_start3A_282] : memref<2x!tpu.dma_semaphore, #tpu.memory_space<semaphore_mem>> -> memref<1x!tpu.dma_semaphore, #tpu.memory_space<semaphore_mem>>
      %dma_start3A_291 = tpu.memref_squeeze %dma_start3A_290 : memref<1x!tpu.dma_semaphore, #tpu.memory_space<semaphore_mem>> -> memref<!tpu.dma_semaphore, #tpu.memory_space<semaphore_mem>>
      %dma_start3A_292 = arith.constant 0 : i32
      %dma_start3A_293 = tpu.memref_slice %arg5[%add3A_202, %mul3A_220, %dma_start3A_292] : memref<256x128x1024xf32, #tpu.memory_space<hbm>> -> memref<1x32x1024xf32, #tpu.memory_space<hbm>>
      %dma_start3A_294 = tpu.memref_squeeze %dma_start3A_293 : memref<1x32x1024xf32, #tpu.memory_space<hbm>> -> memref<32x1024xf32, #tpu.memory_space<hbm>>
      %dma_start3A_295 = arith.constant 0 : i32
      %dma_start3A_296 = arith.constant 0 : i32
      %dma_start3A_297 = tpu.memref_slice %arg9[%dma_start3A_281, %dma_start3A_295, %dma_start3A_296] : memref<2x32x1024xf32, #tpu.memory_space<vmem>> -> memref<1x32x1024xf32, #tpu.memory_space<vmem>>
      %dma_start3A_298 = tpu.memref_squeeze %dma_start3A_297 : memref<1x32x1024xf32, #tpu.memory_space<vmem>> -> memref<32x1024xf32, #tpu.memory_space<vmem>>
      tpu.enqueue_dma source(%dma_start3A_298 : memref<32x1024xf32, #tpu.memory_space<vmem>>) target(%dma_start3A_294 : memref<32x1024xf32, #tpu.memory_space<hbm>>) target_semaphore(%dma_start3A_291 : memref<!tpu.dma_semaphore, #tpu.memory_space<semaphore_mem>>)
    }
    %scan3A_21 = arith.constant 16 : i32
    %dma_wait3A = arith.constant 0 : i32
    %dma_wait3A_22 = arith.constant 0 : i32
    %dma_wait3A_23 = arith.constant 0 : i32
    %dma_wait3A_24 = arith.constant 0 : i32
    %dma_wait3A_25 = arith.constant 0 : i32
    %dma_wait3A_26 = tpu.memref_slice %arg9[%dma_wait3A, %dma_wait3A_24, %dma_wait3A_25] : memref<2x32x1024xf32, #tpu.memory_space<vmem>> -> memref<1x32x1024xf32, #tpu.memory_space<vmem>>
    %dma_wait3A_27 = tpu.memref_squeeze %dma_wait3A_26 : memref<1x32x1024xf32, #tpu.memory_space<vmem>> -> memref<32x1024xf32, #tpu.memory_space<vmem>>
    %dma_wait3A_28 = arith.constant 0 : i32
    %dma_wait3A_29 = arith.constant 0 : i32
    %dma_wait3A_30 = tpu.memref_slice %arg5[%dma_wait3A_22, %dma_wait3A_28, %dma_wait3A_29] : memref<256x128x1024xf32, #tpu.memory_space<hbm>> -> memref<1x32x1024xf32, #tpu.memory_space<hbm>>
    %dma_wait3A_31 = tpu.memref_squeeze %dma_wait3A_30 : memref<1x32x1024xf32, #tpu.memory_space<hbm>> -> memref<32x1024xf32, #tpu.memory_space<hbm>>
    %dma_wait3A_32 = tpu.memref_slice %arg10[%dma_wait3A_23] : memref<2x!tpu.dma_semaphore, #tpu.memory_space<semaphore_mem>> -> memref<1x!tpu.dma_semaphore, #tpu.memory_space<semaphore_mem>>
    %dma_wait3A_33 = tpu.memref_squeeze %dma_wait3A_32 : memref<1x!tpu.dma_semaphore, #tpu.memory_space<semaphore_mem>> -> memref<!tpu.dma_semaphore, #tpu.memory_space<semaphore_mem>>
    %dma_wait3A_34 = arith.constant 0 : i32
    %dma_wait3A_35 = arith.constant 0 : i32
    %dma_wait3A_36 = tpu.memref_slice %arg5[%dma_wait3A_22, %dma_wait3A_34, %dma_wait3A_35] : memref<256x128x1024xf32, #tpu.memory_space<hbm>> -> memref<1x32x1024xf32, #tpu.memory_space<hbm>>
    %dma_wait3A_37 = tpu.memref_squeeze %dma_wait3A_36 : memref<1x32x1024xf32, #tpu.memory_space<hbm>> -> memref<32x1024xf32, #tpu.memory_space<hbm>>
    %dma_wait3A_38 = arith.constant 0 : i32
    %dma_wait3A_39 = arith.constant 0 : i32
    %dma_wait3A_40 = tpu.memref_slice %arg9[%dma_wait3A, %dma_wait3A_38, %dma_wait3A_39] : memref<2x32x1024xf32, #tpu.memory_space<vmem>> -> memref<1x32x1024xf32, #tpu.memory_space<vmem>>
    %dma_wait3A_41 = tpu.memref_squeeze %dma_wait3A_40 : memref<1x32x1024xf32, #tpu.memory_space<vmem>> -> memref<32x1024xf32, #tpu.memory_space<vmem>>
    tpu.wait_dma2 semaphore(%dma_wait3A_33 : memref<!tpu.dma_semaphore, #tpu.memory_space<semaphore_mem>>) src(%dma_wait3A_41 : memref<32x1024xf32, #tpu.memory_space<vmem>>) dst(%dma_wait3A_37 : memref<32x1024xf32, #tpu.memory_space<hbm>>)
    %dma_wait3A_42 = arith.constant 1 : i32
    %dma_wait3A_43 = arith.constant 0 : i32
    %dma_wait3A_44 = arith.constant 1 : i32
    %dma_wait3A_45 = arith.constant 0 : i32
    %dma_wait3A_46 = arith.constant 0 : i32
    %dma_wait3A_47 = tpu.memref_slice %arg9[%dma_wait3A_42, %dma_wait3A_45, %dma_wait3A_46] : memref<2x32x1024xf32, #tpu.memory_space<vmem>> -> memref<1x32x1024xf32, #tpu.memory_space<vmem>>
    %dma_wait3A_48 = tpu.memref_squeeze %dma_wait3A_47 : memref<1x32x1024xf32, #tpu.memory_space<vmem>> -> memref<32x1024xf32, #tpu.memory_space<vmem>>
    %dma_wait3A_49 = arith.constant 0 : i32
    %dma_wait3A_50 = arith.constant 0 : i32
    %dma_wait3A_51 = tpu.memref_slice %arg5[%dma_wait3A_43, %dma_wait3A_49, %dma_wait3A_50] : memref<256x128x1024xf32, #tpu.memory_space<hbm>> -> memref<1x32x1024xf32, #tpu.memory_space<hbm>>
    %dma_wait3A_52 = tpu.memref_squeeze %dma_wait3A_51 : memref<1x32x1024xf32, #tpu.memory_space<hbm>> -> memref<32x1024xf32, #tpu.memory_space<hbm>>
    %dma_wait3A_53 = tpu.memref_slice %arg10[%dma_wait3A_44] : memref<2x!tpu.dma_semaphore, #tpu.memory_space<semaphore_mem>> -> memref<1x!tpu.dma_semaphore, #tpu.memory_space<semaphore_mem>>
    %dma_wait3A_54 = tpu.memref_squeeze %dma_wait3A_53 : memref<1x!tpu.dma_semaphore, #tpu.memory_space<semaphore_mem>> -> memref<!tpu.dma_semaphore, #tpu.memory_space<semaphore_mem>>
    %dma_wait3A_55 = arith.constant 0 : i32
    %dma_wait3A_56 = arith.constant 0 : i32
    %dma_wait3A_57 = tpu.memref_slice %arg5[%dma_wait3A_43, %dma_wait3A_55, %dma_wait3A_56] : memref<256x128x1024xf32, #tpu.memory_space<hbm>> -> memref<1x32x1024xf32, #tpu.memory_space<hbm>>
    %dma_wait3A_58 = tpu.memref_squeeze %dma_wait3A_57 : memref<1x32x1024xf32, #tpu.memory_space<hbm>> -> memref<32x1024xf32, #tpu.memory_space<hbm>>
    %dma_wait3A_59 = arith.constant 0 : i32
    %dma_wait3A_60 = arith.constant 0 : i32
    %dma_wait3A_61 = tpu.memref_slice %arg9[%dma_wait3A_42, %dma_wait3A_59, %dma_wait3A_60] : memref<2x32x1024xf32, #tpu.memory_space<vmem>> -> memref<1x32x1024xf32, #tpu.memory_space<vmem>>
    %dma_wait3A_62 = tpu.memref_squeeze %dma_wait3A_61 : memref<1x32x1024xf32, #tpu.memory_space<vmem>> -> memref<32x1024xf32, #tpu.memory_space<vmem>>
    tpu.wait_dma2 semaphore(%dma_wait3A_54 : memref<!tpu.dma_semaphore, #tpu.memory_space<semaphore_mem>>) src(%dma_wait3A_62 : memref<32x1024xf32, #tpu.memory_space<vmem>>) dst(%dma_wait3A_58 : memref<32x1024xf32, #tpu.memory_space<hbm>>)
    return
  }
}

module attributes {stable_mosaic.version = 14 : i64} {
  func.func @_tc_body(%arg0: memref<64xi32, #tpu.memory_space<smem>>, %arg1: memref<64x128x1024xf32, #tpu.memory_space<any>>, %arg2: memref<256x128x1024xf32, #tpu.memory_space<any>>, %arg3: memref<256x128x1024xf32, #tpu.memory_space<any>>, %arg4: memref<256xi32, #tpu.memory_space<smem>>, %arg5: memref<16x128x1024xf32, #tpu.memory_space<vmem>>, %arg6: memref<16x!tpu.dma_semaphore, #tpu.memory_space<semaphore_mem>>, %arg7: memref<16x!tpu.dma_semaphore, #tpu.memory_space<semaphore_mem>>) attributes {dimension_semantics = [], scalar_prefetch = 0 : i64, scratch_operands = 4 : i64, tpu.core_type = #tpu.core_type<tc>} {
    %scan3A = arith.constant 0 : i32
    %scan3A_0 = arith.constant 256 : i32
    %scan3A_1 = arith.addi %scan3A, %scan3A_0 : i32
    %scan3A_2 = arith.constant 8 : i32
    scf.for %scan3A_24 = %scan3A to %scan3A_1 step %scan3A_2  : i32 {
      %swap3A = arith.constant -1 : i32
      %swap3A_25 = arith.index_cast %scan3A_24 : i32 to index
      %swap3A_26 = memref.load %arg4[%swap3A_25] : memref<256xi32, #tpu.memory_space<smem>>
      memref.store %swap3A, %arg4[%swap3A_25] : memref<256xi32, #tpu.memory_space<smem>>
      %scan3A_27 = arith.constant 1 : i32
      %scan3A_28 = arith.addi %scan3A_24, %scan3A_27 : i32
      %swap3A_29 = arith.constant -1 : i32
      %swap3A_30 = arith.index_cast %scan3A_28 : i32 to index
      %swap3A_31 = memref.load %arg4[%swap3A_30] : memref<256xi32, #tpu.memory_space<smem>>
      memref.store %swap3A_29, %arg4[%swap3A_30] : memref<256xi32, #tpu.memory_space<smem>>
      %scan3A_32 = arith.constant 2 : i32
      %scan3A_33 = arith.addi %scan3A_24, %scan3A_32 : i32
      %swap3A_34 = arith.constant -1 : i32
      %swap3A_35 = arith.index_cast %scan3A_33 : i32 to index
      %swap3A_36 = memref.load %arg4[%swap3A_35] : memref<256xi32, #tpu.memory_space<smem>>
      memref.store %swap3A_34, %arg4[%swap3A_35] : memref<256xi32, #tpu.memory_space<smem>>
      %scan3A_37 = arith.constant 3 : i32
      %scan3A_38 = arith.addi %scan3A_24, %scan3A_37 : i32
      %swap3A_39 = arith.constant -1 : i32
      %swap3A_40 = arith.index_cast %scan3A_38 : i32 to index
      %swap3A_41 = memref.load %arg4[%swap3A_40] : memref<256xi32, #tpu.memory_space<smem>>
      memref.store %swap3A_39, %arg4[%swap3A_40] : memref<256xi32, #tpu.memory_space<smem>>
      %scan3A_42 = arith.constant 4 : i32
      %scan3A_43 = arith.addi %scan3A_24, %scan3A_42 : i32
      %swap3A_44 = arith.constant -1 : i32
      %swap3A_45 = arith.index_cast %scan3A_43 : i32 to index
      %swap3A_46 = memref.load %arg4[%swap3A_45] : memref<256xi32, #tpu.memory_space<smem>>
      memref.store %swap3A_44, %arg4[%swap3A_45] : memref<256xi32, #tpu.memory_space<smem>>
      %scan3A_47 = arith.constant 5 : i32
      %scan3A_48 = arith.addi %scan3A_24, %scan3A_47 : i32
      %swap3A_49 = arith.constant -1 : i32
      %swap3A_50 = arith.index_cast %scan3A_48 : i32 to index
      %swap3A_51 = memref.load %arg4[%swap3A_50] : memref<256xi32, #tpu.memory_space<smem>>
      memref.store %swap3A_49, %arg4[%swap3A_50] : memref<256xi32, #tpu.memory_space<smem>>
      %scan3A_52 = arith.constant 6 : i32
      %scan3A_53 = arith.addi %scan3A_24, %scan3A_52 : i32
      %swap3A_54 = arith.constant -1 : i32
      %swap3A_55 = arith.index_cast %scan3A_53 : i32 to index
      %swap3A_56 = memref.load %arg4[%swap3A_55] : memref<256xi32, #tpu.memory_space<smem>>
      memref.store %swap3A_54, %arg4[%swap3A_55] : memref<256xi32, #tpu.memory_space<smem>>
      %scan3A_57 = arith.constant 7 : i32
      %scan3A_58 = arith.addi %scan3A_24, %scan3A_57 : i32
      %swap3A_59 = arith.constant -1 : i32
      %swap3A_60 = arith.index_cast %scan3A_58 : i32 to index
      %swap3A_61 = memref.load %arg4[%swap3A_60] : memref<256xi32, #tpu.memory_space<smem>>
      memref.store %swap3A_59, %arg4[%swap3A_60] : memref<256xi32, #tpu.memory_space<smem>>
    }
    %scan3A_3 = arith.constant 256 : i32
    %scan3A_4 = arith.constant 0 : i32
    %scan3A_5 = arith.constant 64 : i32
    %scan3A_6 = arith.addi %scan3A_4, %scan3A_5 : i32
    %scan3A_7 = arith.constant 8 : i32
    scf.for %scan3A_24 = %scan3A_4 to %scan3A_6 step %scan3A_7  : i32 {
      %get3A = arith.index_cast %scan3A_24 : i32 to index
      %get3A_25 = memref.load %arg0[%get3A] : memref<64xi32, #tpu.memory_space<smem>>
      %swap3A = arith.index_cast %get3A_25 : i32 to index
      %swap3A_26 = memref.load %arg4[%swap3A] : memref<256xi32, #tpu.memory_space<smem>>
      memref.store %scan3A_24, %arg4[%swap3A] : memref<256xi32, #tpu.memory_space<smem>>
      %scan3A_27 = arith.constant 1 : i32
      %scan3A_28 = arith.addi %scan3A_24, %scan3A_27 : i32
      %get3A_29 = arith.index_cast %scan3A_28 : i32 to index
      %get3A_30 = memref.load %arg0[%get3A_29] : memref<64xi32, #tpu.memory_space<smem>>
      %swap3A_31 = arith.index_cast %get3A_30 : i32 to index
      %swap3A_32 = memref.load %arg4[%swap3A_31] : memref<256xi32, #tpu.memory_space<smem>>
      memref.store %scan3A_28, %arg4[%swap3A_31] : memref<256xi32, #tpu.memory_space<smem>>
      %scan3A_33 = arith.constant 2 : i32
      %scan3A_34 = arith.addi %scan3A_24, %scan3A_33 : i32
      %get3A_35 = arith.index_cast %scan3A_34 : i32 to index
      %get3A_36 = memref.load %arg0[%get3A_35] : memref<64xi32, #tpu.memory_space<smem>>
      %swap3A_37 = arith.index_cast %get3A_36 : i32 to index
      %swap3A_38 = memref.load %arg4[%swap3A_37] : memref<256xi32, #tpu.memory_space<smem>>
      memref.store %scan3A_34, %arg4[%swap3A_37] : memref<256xi32, #tpu.memory_space<smem>>
      %scan3A_39 = arith.constant 3 : i32
      %scan3A_40 = arith.addi %scan3A_24, %scan3A_39 : i32
      %get3A_41 = arith.index_cast %scan3A_40 : i32 to index
      %get3A_42 = memref.load %arg0[%get3A_41] : memref<64xi32, #tpu.memory_space<smem>>
      %swap3A_43 = arith.index_cast %get3A_42 : i32 to index
      %swap3A_44 = memref.load %arg4[%swap3A_43] : memref<256xi32, #tpu.memory_space<smem>>
      memref.store %scan3A_40, %arg4[%swap3A_43] : memref<256xi32, #tpu.memory_space<smem>>
      %scan3A_45 = arith.constant 4 : i32
      %scan3A_46 = arith.addi %scan3A_24, %scan3A_45 : i32
      %get3A_47 = arith.index_cast %scan3A_46 : i32 to index
      %get3A_48 = memref.load %arg0[%get3A_47] : memref<64xi32, #tpu.memory_space<smem>>
      %swap3A_49 = arith.index_cast %get3A_48 : i32 to index
      %swap3A_50 = memref.load %arg4[%swap3A_49] : memref<256xi32, #tpu.memory_space<smem>>
      memref.store %scan3A_46, %arg4[%swap3A_49] : memref<256xi32, #tpu.memory_space<smem>>
      %scan3A_51 = arith.constant 5 : i32
      %scan3A_52 = arith.addi %scan3A_24, %scan3A_51 : i32
      %get3A_53 = arith.index_cast %scan3A_52 : i32 to index
      %get3A_54 = memref.load %arg0[%get3A_53] : memref<64xi32, #tpu.memory_space<smem>>
      %swap3A_55 = arith.index_cast %get3A_54 : i32 to index
      %swap3A_56 = memref.load %arg4[%swap3A_55] : memref<256xi32, #tpu.memory_space<smem>>
      memref.store %scan3A_52, %arg4[%swap3A_55] : memref<256xi32, #tpu.memory_space<smem>>
      %scan3A_57 = arith.constant 6 : i32
      %scan3A_58 = arith.addi %scan3A_24, %scan3A_57 : i32
      %get3A_59 = arith.index_cast %scan3A_58 : i32 to index
      %get3A_60 = memref.load %arg0[%get3A_59] : memref<64xi32, #tpu.memory_space<smem>>
      %swap3A_61 = arith.index_cast %get3A_60 : i32 to index
      %swap3A_62 = memref.load %arg4[%swap3A_61] : memref<256xi32, #tpu.memory_space<smem>>
      memref.store %scan3A_58, %arg4[%swap3A_61] : memref<256xi32, #tpu.memory_space<smem>>
      %scan3A_63 = arith.constant 7 : i32
      %scan3A_64 = arith.addi %scan3A_24, %scan3A_63 : i32
      %get3A_65 = arith.index_cast %scan3A_64 : i32 to index
      %get3A_66 = memref.load %arg0[%get3A_65] : memref<64xi32, #tpu.memory_space<smem>>
      %swap3A_67 = arith.index_cast %get3A_66 : i32 to index
      %swap3A_68 = memref.load %arg4[%swap3A_67] : memref<256xi32, #tpu.memory_space<smem>>
      memref.store %scan3A_64, %arg4[%swap3A_67] : memref<256xi32, #tpu.memory_space<smem>>
    }
    %scan3A_8 = arith.constant 64 : i32
    %scan3A_9 = arith.constant 0 : i32
    %scan3A_10 = arith.constant 12 : i32
    %scan3A_11 = arith.addi %scan3A_9, %scan3A_10 : i32
    %scan3A_12 = arith.constant 1 : i32
    scf.for %scan3A_24 = %scan3A_9 to %scan3A_11 step %scan3A_12  : i32 {
      %jit3A = arith.constant 16 : i32
      %eq3A = arith.constant 0 : i32
      %eq3A_25 = arith.cmpi eq, %jit3A, %eq3A : i32
      %jit3A_26 = arith.constant 1 : i32
      %select_n3A = arith.select %eq3A_25, %jit3A_26, %jit3A : i32
      %rem3A = arith.remsi %scan3A_24, %select_n3A : i32
      %ne3A = arith.constant 0 : i32
      %ne3A_27 = arith.cmpi ne, %rem3A, %ne3A : i32
      %lt3A = arith.constant 0 : i32
      %lt3A_28 = arith.cmpi slt, %rem3A, %lt3A : i32
      %lt3A_29 = arith.constant 0 : i32
      %lt3A_30 = arith.cmpi slt, %select_n3A, %lt3A_29 : i32
      %ne3A_31 = arith.xori %lt3A_28, %lt3A_30 : i1
      %and3A = arith.andi %ne3A_31, %ne3A_27 : i1
      %add3A = arith.addi %rem3A, %select_n3A : i32
      %select_n3A_32 = arith.select %and3A, %add3A, %rem3A : i32
      %get3A = arith.index_cast %scan3A_24 : i32 to index
      %get3A_33 = memref.load %arg4[%get3A] : memref<256xi32, #tpu.memory_space<smem>>
      %ge3A = arith.constant 0 : i32
      %ge3A_34 = arith.cmpi sge, %get3A_33, %ge3A : i32
      %convert_element_type3A = arith.extui %ge3A_34 : i1 to i32
      %cond3A = arith.constant 0 : i32
      %cond3A_35 = arith.cmpi ne, %convert_element_type3A, %cond3A : i32
      scf.if %cond3A_35 {
        %dma_start3A = tpu.memref_slice %arg6[%select_n3A_32] : memref<16x!tpu.dma_semaphore, #tpu.memory_space<semaphore_mem>> -> memref<1x!tpu.dma_semaphore, #tpu.memory_space<semaphore_mem>>
        %dma_start3A_41 = tpu.memref_squeeze %dma_start3A : memref<1x!tpu.dma_semaphore, #tpu.memory_space<semaphore_mem>> -> memref<!tpu.dma_semaphore, #tpu.memory_space<semaphore_mem>>
        %dma_start3A_42 = arith.constant 0 : i32
        %dma_start3A_43 = arith.constant 0 : i32
        %dma_start3A_44 = tpu.memref_slice %arg5[%select_n3A_32, %dma_start3A_42, %dma_start3A_43] : memref<16x128x1024xf32, #tpu.memory_space<vmem>> -> memref<1x128x1024xf32, #tpu.memory_space<vmem>>
        %dma_start3A_45 = tpu.memref_squeeze %dma_start3A_44 : memref<1x128x1024xf32, #tpu.memory_space<vmem>> -> memref<128x1024xf32, #tpu.memory_space<vmem>>
        %dma_start3A_46 = arith.constant 0 : i32
        %dma_start3A_47 = arith.constant 0 : i32
        %dma_start3A_48 = tpu.memref_slice %arg1[%get3A_33, %dma_start3A_46, %dma_start3A_47] : memref<64x128x1024xf32, #tpu.memory_space<any>> -> memref<1x128x1024xf32, #tpu.memory_space<any>>
        %dma_start3A_49 = tpu.memref_squeeze %dma_start3A_48 : memref<1x128x1024xf32, #tpu.memory_space<any>> -> memref<128x1024xf32, #tpu.memory_space<any>>
        tpu.enqueue_dma source(%dma_start3A_49 : memref<128x1024xf32, #tpu.memory_space<any>>) target(%dma_start3A_45 : memref<128x1024xf32, #tpu.memory_space<vmem>>) target_semaphore(%dma_start3A_41 : memref<!tpu.dma_semaphore, #tpu.memory_space<semaphore_mem>>)
      } else {
      }
      %lt3A_36 = arith.constant 0 : i32
      %lt3A_37 = arith.cmpi slt, %get3A_33, %lt3A_36 : i32
      %convert_element_type3A_38 = arith.extui %lt3A_37 : i1 to i32
      %cond3A_39 = arith.constant 0 : i32
      %cond3A_40 = arith.cmpi ne, %convert_element_type3A_38, %cond3A_39 : i32
      scf.if %cond3A_40 {
        %dma_start3A = tpu.memref_slice %arg6[%select_n3A_32] : memref<16x!tpu.dma_semaphore, #tpu.memory_space<semaphore_mem>> -> memref<1x!tpu.dma_semaphore, #tpu.memory_space<semaphore_mem>>
        %dma_start3A_41 = tpu.memref_squeeze %dma_start3A : memref<1x!tpu.dma_semaphore, #tpu.memory_space<semaphore_mem>> -> memref<!tpu.dma_semaphore, #tpu.memory_space<semaphore_mem>>
        %dma_start3A_42 = arith.constant 0 : i32
        %dma_start3A_43 = arith.constant 0 : i32
        %dma_start3A_44 = tpu.memref_slice %arg5[%select_n3A_32, %dma_start3A_42, %dma_start3A_43] : memref<16x128x1024xf32, #tpu.memory_space<vmem>> -> memref<1x128x1024xf32, #tpu.memory_space<vmem>>
        %dma_start3A_45 = tpu.memref_squeeze %dma_start3A_44 : memref<1x128x1024xf32, #tpu.memory_space<vmem>> -> memref<128x1024xf32, #tpu.memory_space<vmem>>
        %dma_start3A_46 = arith.constant 0 : i32
        %dma_start3A_47 = arith.constant 0 : i32
        %dma_start3A_48 = tpu.memref_slice %arg2[%scan3A_24, %dma_start3A_46, %dma_start3A_47] : memref<256x128x1024xf32, #tpu.memory_space<any>> -> memref<1x128x1024xf32, #tpu.memory_space<any>>
        %dma_start3A_49 = tpu.memref_squeeze %dma_start3A_48 : memref<1x128x1024xf32, #tpu.memory_space<any>> -> memref<128x1024xf32, #tpu.memory_space<any>>
        tpu.enqueue_dma source(%dma_start3A_49 : memref<128x1024xf32, #tpu.memory_space<any>>) target(%dma_start3A_45 : memref<128x1024xf32, #tpu.memory_space<vmem>>) target_semaphore(%dma_start3A_41 : memref<!tpu.dma_semaphore, #tpu.memory_space<semaphore_mem>>)
      } else {
      }
    }
    %scan3A_13 = arith.constant 12 : i32
    %scan3A_14 = arith.constant 0 : i32
    %scan3A_15 = arith.constant 256 : i32
    %scan3A_16 = arith.addi %scan3A_14, %scan3A_15 : i32
    %scan3A_17 = arith.constant 1 : i32
    scf.for %scan3A_24 = %scan3A_14 to %scan3A_16 step %scan3A_17  : i32 {
      %jit3A = arith.constant 16 : i32
      %eq3A = arith.constant 0 : i32
      %eq3A_25 = arith.cmpi eq, %jit3A, %eq3A : i32
      %jit3A_26 = arith.constant 1 : i32
      %select_n3A = arith.select %eq3A_25, %jit3A_26, %jit3A : i32
      %rem3A = arith.remsi %scan3A_24, %select_n3A : i32
      %ne3A = arith.constant 0 : i32
      %ne3A_27 = arith.cmpi ne, %rem3A, %ne3A : i32
      %lt3A = arith.constant 0 : i32
      %lt3A_28 = arith.cmpi slt, %rem3A, %lt3A : i32
      %lt3A_29 = arith.constant 0 : i32
      %lt3A_30 = arith.cmpi slt, %select_n3A, %lt3A_29 : i32
      %ne3A_31 = arith.xori %lt3A_28, %lt3A_30 : i1
      %and3A = arith.andi %ne3A_31, %ne3A_27 : i1
      %add3A = arith.addi %rem3A, %select_n3A : i32
      %select_n3A_32 = arith.select %and3A, %add3A, %rem3A : i32
      %dma_wait3A = arith.constant 0 : i32
      %dma_wait3A_33 = tpu.memref_slice %arg6[%select_n3A_32] : memref<16x!tpu.dma_semaphore, #tpu.memory_space<semaphore_mem>> -> memref<1x!tpu.dma_semaphore, #tpu.memory_space<semaphore_mem>>
      %dma_wait3A_34 = tpu.memref_squeeze %dma_wait3A_33 : memref<1x!tpu.dma_semaphore, #tpu.memory_space<semaphore_mem>> -> memref<!tpu.dma_semaphore, #tpu.memory_space<semaphore_mem>>
      %dma_wait3A_35 = arith.constant 0 : i32
      %dma_wait3A_36 = arith.constant 0 : i32
      %dma_wait3A_37 = tpu.memref_slice %arg5[%select_n3A_32, %dma_wait3A_35, %dma_wait3A_36] : memref<16x128x1024xf32, #tpu.memory_space<vmem>> -> memref<1x128x1024xf32, #tpu.memory_space<vmem>>
      %dma_wait3A_38 = tpu.memref_squeeze %dma_wait3A_37 : memref<1x128x1024xf32, #tpu.memory_space<vmem>> -> memref<128x1024xf32, #tpu.memory_space<vmem>>
      %dma_wait3A_39 = arith.constant 0 : i32
      %dma_wait3A_40 = arith.constant 0 : i32
      %dma_wait3A_41 = tpu.memref_slice %arg2[%dma_wait3A, %dma_wait3A_39, %dma_wait3A_40] : memref<256x128x1024xf32, #tpu.memory_space<any>> -> memref<1x128x1024xf32, #tpu.memory_space<any>>
      %dma_wait3A_42 = tpu.memref_squeeze %dma_wait3A_41 : memref<1x128x1024xf32, #tpu.memory_space<any>> -> memref<128x1024xf32, #tpu.memory_space<any>>
      tpu.wait_dma2 semaphore(%dma_wait3A_34 : memref<!tpu.dma_semaphore, #tpu.memory_space<semaphore_mem>>) src(%dma_wait3A_42 : memref<128x1024xf32, #tpu.memory_space<any>>) dst(%dma_wait3A_38 : memref<128x1024xf32, #tpu.memory_space<vmem>>)
      %dma_start3A = tpu.memref_slice %arg7[%select_n3A_32] : memref<16x!tpu.dma_semaphore, #tpu.memory_space<semaphore_mem>> -> memref<1x!tpu.dma_semaphore, #tpu.memory_space<semaphore_mem>>
      %dma_start3A_43 = tpu.memref_squeeze %dma_start3A : memref<1x!tpu.dma_semaphore, #tpu.memory_space<semaphore_mem>> -> memref<!tpu.dma_semaphore, #tpu.memory_space<semaphore_mem>>
      %dma_start3A_44 = arith.constant 0 : i32
      %dma_start3A_45 = arith.constant 0 : i32
      %dma_start3A_46 = tpu.memref_slice %arg3[%scan3A_24, %dma_start3A_44, %dma_start3A_45] : memref<256x128x1024xf32, #tpu.memory_space<any>> -> memref<1x128x1024xf32, #tpu.memory_space<any>>
      %dma_start3A_47 = tpu.memref_squeeze %dma_start3A_46 : memref<1x128x1024xf32, #tpu.memory_space<any>> -> memref<128x1024xf32, #tpu.memory_space<any>>
      %dma_start3A_48 = arith.constant 0 : i32
      %dma_start3A_49 = arith.constant 0 : i32
      %dma_start3A_50 = tpu.memref_slice %arg5[%select_n3A_32, %dma_start3A_48, %dma_start3A_49] : memref<16x128x1024xf32, #tpu.memory_space<vmem>> -> memref<1x128x1024xf32, #tpu.memory_space<vmem>>
      %dma_start3A_51 = tpu.memref_squeeze %dma_start3A_50 : memref<1x128x1024xf32, #tpu.memory_space<vmem>> -> memref<128x1024xf32, #tpu.memory_space<vmem>>
      tpu.enqueue_dma source(%dma_start3A_51 : memref<128x1024xf32, #tpu.memory_space<vmem>>) target(%dma_start3A_47 : memref<128x1024xf32, #tpu.memory_space<any>>) target_semaphore(%dma_start3A_43 : memref<!tpu.dma_semaphore, #tpu.memory_space<semaphore_mem>>)
      %add3A_52 = arith.constant 12 : i32
      %add3A_53 = arith.addi %scan3A_24, %add3A_52 : i32
      %lt3A_54 = arith.constant 256 : i32
      %lt3A_55 = arith.cmpi slt, %add3A_53, %lt3A_54 : i32
      %convert_element_type3A = arith.extui %lt3A_55 : i1 to i32
      %cond3A = arith.constant 0 : i32
      %cond3A_56 = arith.cmpi ne, %convert_element_type3A, %cond3A : i32
      scf.if %cond3A_56 {
        %jit3A_57 = arith.constant 16 : i32
        %eq3A_58 = arith.constant 0 : i32
        %eq3A_59 = arith.cmpi eq, %jit3A_57, %eq3A_58 : i32
        %jit3A_60 = arith.constant 1 : i32
        %select_n3A_61 = arith.select %eq3A_59, %jit3A_60, %jit3A_57 : i32
        %rem3A_62 = arith.remsi %add3A_53, %select_n3A_61 : i32
        %ne3A_63 = arith.constant 0 : i32
        %ne3A_64 = arith.cmpi ne, %rem3A_62, %ne3A_63 : i32
        %lt3A_65 = arith.constant 0 : i32
        %lt3A_66 = arith.cmpi slt, %rem3A_62, %lt3A_65 : i32
        %lt3A_67 = arith.constant 0 : i32
        %lt3A_68 = arith.cmpi slt, %select_n3A_61, %lt3A_67 : i32
        %ne3A_69 = arith.xori %lt3A_66, %lt3A_68 : i1
        %and3A_70 = arith.andi %ne3A_69, %ne3A_64 : i1
        %add3A_71 = arith.addi %rem3A_62, %select_n3A_61 : i32
        %select_n3A_72 = arith.select %and3A_70, %add3A_71, %rem3A_62 : i32
        %ge3A = arith.constant 16 : i32
        %ge3A_73 = arith.cmpi sge, %add3A_53, %ge3A : i32
        %convert_element_type3A_74 = arith.extui %ge3A_73 : i1 to i32
        %cond3A_75 = arith.constant 0 : i32
        %cond3A_76 = arith.cmpi ne, %convert_element_type3A_74, %cond3A_75 : i32
        scf.if %cond3A_76 {
          %dma_wait3A_88 = arith.constant 0 : i32
          %dma_wait3A_89 = tpu.memref_slice %arg7[%select_n3A_72] : memref<16x!tpu.dma_semaphore, #tpu.memory_space<semaphore_mem>> -> memref<1x!tpu.dma_semaphore, #tpu.memory_space<semaphore_mem>>
          %dma_wait3A_90 = tpu.memref_squeeze %dma_wait3A_89 : memref<1x!tpu.dma_semaphore, #tpu.memory_space<semaphore_mem>> -> memref<!tpu.dma_semaphore, #tpu.memory_space<semaphore_mem>>
          %dma_wait3A_91 = arith.constant 0 : i32
          %dma_wait3A_92 = arith.constant 0 : i32
          %dma_wait3A_93 = tpu.memref_slice %arg3[%dma_wait3A_88, %dma_wait3A_91, %dma_wait3A_92] : memref<256x128x1024xf32, #tpu.memory_space<any>> -> memref<1x128x1024xf32, #tpu.memory_space<any>>
          %dma_wait3A_94 = tpu.memref_squeeze %dma_wait3A_93 : memref<1x128x1024xf32, #tpu.memory_space<any>> -> memref<128x1024xf32, #tpu.memory_space<any>>
          %dma_wait3A_95 = arith.constant 0 : i32
          %dma_wait3A_96 = arith.constant 0 : i32
          %dma_wait3A_97 = tpu.memref_slice %arg5[%select_n3A_72, %dma_wait3A_95, %dma_wait3A_96] : memref<16x128x1024xf32, #tpu.memory_space<vmem>> -> memref<1x128x1024xf32, #tpu.memory_space<vmem>>
          %dma_wait3A_98 = tpu.memref_squeeze %dma_wait3A_97 : memref<1x128x1024xf32, #tpu.memory_space<vmem>> -> memref<128x1024xf32, #tpu.memory_space<vmem>>
          tpu.wait_dma2 semaphore(%dma_wait3A_90 : memref<!tpu.dma_semaphore, #tpu.memory_space<semaphore_mem>>) src(%dma_wait3A_98 : memref<128x1024xf32, #tpu.memory_space<vmem>>) dst(%dma_wait3A_94 : memref<128x1024xf32, #tpu.memory_space<any>>)
        } else {
        }
        %get3A = arith.index_cast %add3A_53 : i32 to index
        %get3A_77 = memref.load %arg4[%get3A] : memref<256xi32, #tpu.memory_space<smem>>
        %ge3A_78 = arith.constant 0 : i32
        %ge3A_79 = arith.cmpi sge, %get3A_77, %ge3A_78 : i32
        %convert_element_type3A_80 = arith.extui %ge3A_79 : i1 to i32
        %cond3A_81 = arith.constant 0 : i32
        %cond3A_82 = arith.cmpi ne, %convert_element_type3A_80, %cond3A_81 : i32
        scf.if %cond3A_82 {
          %dma_start3A_88 = tpu.memref_slice %arg6[%select_n3A_72] : memref<16x!tpu.dma_semaphore, #tpu.memory_space<semaphore_mem>> -> memref<1x!tpu.dma_semaphore, #tpu.memory_space<semaphore_mem>>
          %dma_start3A_89 = tpu.memref_squeeze %dma_start3A_88 : memref<1x!tpu.dma_semaphore, #tpu.memory_space<semaphore_mem>> -> memref<!tpu.dma_semaphore, #tpu.memory_space<semaphore_mem>>
          %dma_start3A_90 = arith.constant 0 : i32
          %dma_start3A_91 = arith.constant 0 : i32
          %dma_start3A_92 = tpu.memref_slice %arg5[%select_n3A_72, %dma_start3A_90, %dma_start3A_91] : memref<16x128x1024xf32, #tpu.memory_space<vmem>> -> memref<1x128x1024xf32, #tpu.memory_space<vmem>>
          %dma_start3A_93 = tpu.memref_squeeze %dma_start3A_92 : memref<1x128x1024xf32, #tpu.memory_space<vmem>> -> memref<128x1024xf32, #tpu.memory_space<vmem>>
          %dma_start3A_94 = arith.constant 0 : i32
          %dma_start3A_95 = arith.constant 0 : i32
          %dma_start3A_96 = tpu.memref_slice %arg1[%get3A_77, %dma_start3A_94, %dma_start3A_95] : memref<64x128x1024xf32, #tpu.memory_space<any>> -> memref<1x128x1024xf32, #tpu.memory_space<any>>
          %dma_start3A_97 = tpu.memref_squeeze %dma_start3A_96 : memref<1x128x1024xf32, #tpu.memory_space<any>> -> memref<128x1024xf32, #tpu.memory_space<any>>
          tpu.enqueue_dma source(%dma_start3A_97 : memref<128x1024xf32, #tpu.memory_space<any>>) target(%dma_start3A_93 : memref<128x1024xf32, #tpu.memory_space<vmem>>) target_semaphore(%dma_start3A_89 : memref<!tpu.dma_semaphore, #tpu.memory_space<semaphore_mem>>)
        } else {
        }
        %lt3A_83 = arith.constant 0 : i32
        %lt3A_84 = arith.cmpi slt, %get3A_77, %lt3A_83 : i32
        %convert_element_type3A_85 = arith.extui %lt3A_84 : i1 to i32
        %cond3A_86 = arith.constant 0 : i32
        %cond3A_87 = arith.cmpi ne, %convert_element_type3A_85, %cond3A_86 : i32
        scf.if %cond3A_87 {
          %dma_start3A_88 = tpu.memref_slice %arg6[%select_n3A_72] : memref<16x!tpu.dma_semaphore, #tpu.memory_space<semaphore_mem>> -> memref<1x!tpu.dma_semaphore, #tpu.memory_space<semaphore_mem>>
          %dma_start3A_89 = tpu.memref_squeeze %dma_start3A_88 : memref<1x!tpu.dma_semaphore, #tpu.memory_space<semaphore_mem>> -> memref<!tpu.dma_semaphore, #tpu.memory_space<semaphore_mem>>
          %dma_start3A_90 = arith.constant 0 : i32
          %dma_start3A_91 = arith.constant 0 : i32
          %dma_start3A_92 = tpu.memref_slice %arg5[%select_n3A_72, %dma_start3A_90, %dma_start3A_91] : memref<16x128x1024xf32, #tpu.memory_space<vmem>> -> memref<1x128x1024xf32, #tpu.memory_space<vmem>>
          %dma_start3A_93 = tpu.memref_squeeze %dma_start3A_92 : memref<1x128x1024xf32, #tpu.memory_space<vmem>> -> memref<128x1024xf32, #tpu.memory_space<vmem>>
          %dma_start3A_94 = arith.constant 0 : i32
          %dma_start3A_95 = arith.constant 0 : i32
          %dma_start3A_96 = tpu.memref_slice %arg2[%add3A_53, %dma_start3A_94, %dma_start3A_95] : memref<256x128x1024xf32, #tpu.memory_space<any>> -> memref<1x128x1024xf32, #tpu.memory_space<any>>
          %dma_start3A_97 = tpu.memref_squeeze %dma_start3A_96 : memref<1x128x1024xf32, #tpu.memory_space<any>> -> memref<128x1024xf32, #tpu.memory_space<any>>
          tpu.enqueue_dma source(%dma_start3A_97 : memref<128x1024xf32, #tpu.memory_space<any>>) target(%dma_start3A_93 : memref<128x1024xf32, #tpu.memory_space<vmem>>) target_semaphore(%dma_start3A_89 : memref<!tpu.dma_semaphore, #tpu.memory_space<semaphore_mem>>)
        } else {
        }
      } else {
      }
    }
    %scan3A_18 = arith.constant 256 : i32
    %scan3A_19 = arith.constant 0 : i32
    %scan3A_20 = arith.constant 16 : i32
    %scan3A_21 = arith.addi %scan3A_19, %scan3A_20 : i32
    %scan3A_22 = arith.constant 1 : i32
    scf.for %scan3A_24 = %scan3A_19 to %scan3A_21 step %scan3A_22  : i32 {
      %dma_wait3A = arith.constant 0 : i32
      %dma_wait3A_25 = tpu.memref_slice %arg7[%scan3A_24] : memref<16x!tpu.dma_semaphore, #tpu.memory_space<semaphore_mem>> -> memref<1x!tpu.dma_semaphore, #tpu.memory_space<semaphore_mem>>
      %dma_wait3A_26 = tpu.memref_squeeze %dma_wait3A_25 : memref<1x!tpu.dma_semaphore, #tpu.memory_space<semaphore_mem>> -> memref<!tpu.dma_semaphore, #tpu.memory_space<semaphore_mem>>
      %dma_wait3A_27 = arith.constant 0 : i32
      %dma_wait3A_28 = arith.constant 0 : i32
      %dma_wait3A_29 = tpu.memref_slice %arg3[%dma_wait3A, %dma_wait3A_27, %dma_wait3A_28] : memref<256x128x1024xf32, #tpu.memory_space<any>> -> memref<1x128x1024xf32, #tpu.memory_space<any>>
      %dma_wait3A_30 = tpu.memref_squeeze %dma_wait3A_29 : memref<1x128x1024xf32, #tpu.memory_space<any>> -> memref<128x1024xf32, #tpu.memory_space<any>>
      %dma_wait3A_31 = arith.constant 0 : i32
      %dma_wait3A_32 = arith.constant 0 : i32
      %dma_wait3A_33 = tpu.memref_slice %arg5[%scan3A_24, %dma_wait3A_31, %dma_wait3A_32] : memref<16x128x1024xf32, #tpu.memory_space<vmem>> -> memref<1x128x1024xf32, #tpu.memory_space<vmem>>
      %dma_wait3A_34 = tpu.memref_squeeze %dma_wait3A_33 : memref<1x128x1024xf32, #tpu.memory_space<vmem>> -> memref<128x1024xf32, #tpu.memory_space<vmem>>
      tpu.wait_dma2 semaphore(%dma_wait3A_26 : memref<!tpu.dma_semaphore, #tpu.memory_space<semaphore_mem>>) src(%dma_wait3A_34 : memref<128x1024xf32, #tpu.memory_space<vmem>>) dst(%dma_wait3A_30 : memref<128x1024xf32, #tpu.memory_space<any>>)
    }
    %scan3A_23 = arith.constant 16 : i32
    return
  }
}

</mosaic_0001>

<sc_bundles>
// kernel: kernel.4.cloned.1.call-start
scs
__scs_entry_jumppad:
0x0: {  	(pc) =	sbr.rel $0x88, $3  }
0x1: {  	(tag) =	ssettag $0x0;
	lr =	simm.s32 $0x1  }
0x2: {  	[smem:$0x3F9C] =	sst lr;
	_ =	strace $0xD0000000  }
0x3: {  	_ = 	snop  }
0x4: {  	_ = 	snop  }
0x5: {  	_ = 	snop  }
0x6: {  	_ = 	snop  }
0x7: {  	_ = 	snop  }
__scs_overlays_trampoline_lowered:
0x8: {  	[smem:$0x3FAB] =	sst s0  }
0x9: {  	[smem:$0x3FAC] =	sst s1  }
0xa: {  	[smem:$0x3FAD] =	sst s2  }
0xb: {  	[smem:$0x3FAE] =	sst s3  }
0xc: {  	[smem:$0x3FAF] =	sst s4  }
0xd: {  	[smem:$0x3FB0] =	sst s5  }
0xe: {  	[smem:$0x3FB1] =	sst s6  }
0xf: {  	[smem:$0x3FB2] =	sst s7  }
0x10: {  	[smem:$0x3FB3] =	sst s8  }
0x11: {  	[smem:$0x3FB4] =	sst s9;
	s0 =	simm.s32 @!p0 $0x0  }
0x12: {  	s1 =	sld [smem:$0x3F9A];
	s0 =	simm.s32 @p0 $0x1  }
0x13: {  	[smem:$0x3FB5] =	sst s0;
	s0 =	simm.s32 @!p1 $0x0  }
0x14: {  	s2 =	sld [smem:$0x3F99];
	s0 =	simm.s32 @p1 $0x1  }
0x15: {  	[smem:$0x3FB6] =	sst s0;
	s0 =	simm.s32 @!p2 $0x0  }
0x16: {  	s3 =	sld [smem:$0x3FDB];
	s0 =	simm.s32 @p2 $0x1  }
0x17: {  	s4 =	simm.s32 $0x1BF5;
	[smem:$0x3FB8] =	sst s0  }
0x18: {  	s0 =	sld [smem:$0x3F9B];
	_ =	swait.ge [sflag:s4], $0x0  }
0x19: {  	s7 =	sld [smem:$0x3F9C]  }
0x1a: {  	s8 =	sadd.s32 $0xFFFFE003, lr  }
0x1b: {  	s9 =	sadd.s32 $0xFFFFFEF7, lr;
	s5 =	simm.s32 $0xFFFFFFFF;
	p2 =	slt.u32 s8, $0xFFFFF086  }
0x1c: {  	p1 =	slt.u32 s9, $0xF7A;
	s5 =	simm.s32 @!p2 $0x0  }
0x1d: {  	s5 =	simm.s32 @p1 $0x1;
	p0 =	seq.s32 s7, s2  }
0x1e: {  	s7 =	smul.u32 @!p0 $0xF7A, s2;
	p2 =	seq.s32 @!p0 s5, $0x0  }
0x1f: {  	s9 =	smul.u32 $0xF7A, s1;
	s8 =	simm.s32 @!p0 $0x1BF5;
	p2 =	por !p2, p0  }
0x20: {  	[sflag:s8] =	ssyncset.s32 @!p0 $0xFFFFF086;
	s6 =	sadd.s32 @!p0 s3, s7;
	s7 =	simm.s32 @!p0 $0x108  }
0x21: {  	s3 =	sadd.s32 s3, s9;
	s6 =	sadd.s32 @!p0 $0x88, s6;
	s7 =	simm.s32 @p2 $0x1082  }
0x22: {  	[simem:s7], [sflag:s8] =	dma.local @!p0 [hbm:s6], $0xF7A  }
0x23: {  	s9 =	sor.u32 $0xD0000000, s2;
	s6 =	simm.s32 $0x108;
	_ =	swait.ge @!p0 [sflag:s8], $0x0  }
0x24: {  	s3 =	sadd.s32 $0x88, s3;
	s6 =	simm.s32 @!p1 $0x1082;
	[sflag:s4] =	ssyncset.s32 $0xFFFFF086  }
0x25: {  	[simem:s6], [sflag:s4] =	dma.local [hbm:s3], $0xF7A  }
0x26: {  	[smem:$0x3F9C] =	sst s1;
	(tag) =	ssettag s2;
	_ =	strace s9  }
0x27: {  	s1 =	sld [smem:$0x3FAC]  }
0x28: {  	s2 =	sld [smem:$0x3FAD]  }
0x29: {  	s4 =	sld [smem:$0x3FAF]  }
0x2a: {  	p0 =	seq.s32 s5, $0x0;
	s5 =	sld [smem:$0x3FB0]  }
0x2b: {  	s6 =	sld [smem:$0x3FB1]  }
0x2c: {  	s7 =	sld [smem:$0x3FB2]  }
0x2d: {  	s3 =	simm.s32 $0x108;
	s8 =	sld [smem:$0x3FB3]  }
0x2e: {  	s3 =	simm.s32 @!p0 $0x1082;
	s9 =	sld [smem:$0x3FB4]  }
0x2f: {  	lr =	sadd.s32 s0, s3;
	s0 =	sld [smem:$0x3FAB]  }
0x30: {  	s3 =	sld [smem:$0x3FAE]  }
0x31: {  	[smem:$0x3FB7] =	sst s10  }
0x32: {  	s10 =	sld [smem:$0x3FB5];
	_ =	sdelay $0x3  }
0x33: {  	p0 =	seq.s32 s10, $0x1;
	s10 =	sld [smem:$0x3FB7];
	_ =	sdelay $0x3  }
0x34: {  	[smem:$0x3FB7] =	sst s10  }
0x35: {  	s10 =	sld [smem:$0x3FB6];
	_ =	sdelay $0x3  }
0x36: {  	p1 =	seq.s32 s10, $0x1;
	s10 =	sld [smem:$0x3FB7];
	_ =	sdelay $0x3  }
0x37: {  	[smem:$0x3FB7] =	sst s10  }
0x38: {  	s10 =	sld [smem:$0x3FB8]  }
0x39: {  	_ = 	snop;
	(pc) =	sbr.ind lr, $3  }
0x3a: {  	_ = 	snop  }
0x3b: {  	_ = 	snop  }
0x3c: {  	p2 =	seq.s32 s10, $0x1;
	s10 =	sld [smem:$0x3FB7]  }
0x3d: {  	_ =	shalt  }
0x3e: {  	_ =	shalt  }
0x3f: {  	_ =	shalt  }
0x40: {  	_ =	shalt  }
0x41: {  	_ =	shalt  }
0x42: {  	_ =	shalt  }
0x43: {  	_ =	shalt  }
0x44: {  	_ =	shalt  }
0x45: {  	_ =	shalt  }
0x46: {  	_ =	shalt  }
0x47: {  	_ =	shalt  }
0x48: {  	_ =	shalt  }
0x49: {  	_ =	shalt  }
0x4a: {  	_ =	shalt  }
0x4b: {  	_ =	shalt  }
0x4c: {  	_ =	shalt  }
0x4d: {  	_ =	shalt  }
0x4e: {  	_ =	shalt  }
0x4f: {  	_ =	shalt  }
0x50: {  	_ =	shalt  }
0x51: {  	_ =	shalt  }
0x52: {  	_ =	shalt  }
0x53: {  	_ =	shalt  }
0x54: {  	_ =	shalt  }
0x55: {  	_ =	shalt  }
0x56: {  	_ =	shalt  }
0x57: {  	_ =	shalt  }
0x58: {  	_ =	shalt  }
0x59: {  	_ =	shalt  }
0x5a: {  	_ =	shalt  }
0x5b: {  	_ =	shalt  }
0x5c: {  	_ =	shalt  }
0x5d: {  	_ =	shalt  }
0x5e: {  	_ =	shalt  }
0x5f: {  	_ =	shalt  }
0x60: {  	_ =	shalt  }
0x61: {  	_ =	shalt  }
0x62: {  	_ =	shalt  }
0x63: {  	_ =	shalt  }
0x64: {  	_ =	shalt  }
0x65: {  	_ =	shalt  }
0x66: {  	_ =	shalt  }
0x67: {  	_ =	shalt  }
0x68: {  	_ =	shalt  }
0x69: {  	_ =	shalt  }
0x6a: {  	_ =	shalt  }
0x6b: {  	_ =	shalt  }
0x6c: {  	_ =	shalt  }
0x6d: {  	_ =	shalt  }
0x6e: {  	_ =	shalt  }
0x6f: {  	_ =	shalt  }
0x70: {  	_ =	shalt  }
0x71: {  	_ =	shalt  }
0x72: {  	_ =	shalt  }
0x73: {  	_ =	shalt  }
0x74: {  	_ =	shalt  }
0x75: {  	_ =	shalt  }
0x76: {  	_ =	shalt  }
0x77: {  	_ =	shalt  }
0x78: {  	_ =	shalt  }
0x79: {  	_ =	shalt  }
0x7a: {  	_ =	shalt  }
0x7b: {  	_ =	shalt  }
0x7c: {  	_ =	shalt  }
0x7d: {  	_ =	shalt  }
0x7e: {  	_ =	shalt  }
0x7f: {  	_ =	shalt  }
0x80: {  	_ =	shalt  }
0x81: {  	_ =	shalt  }
0x82: {  	_ =	shalt  }
0x83: {  	_ =	shalt  }
0x84: {  	_ =	shalt  }
0x85: {  	_ =	shalt  }
0x86: {  	_ =	shalt  }
0x87: {  	_ =	shalt  }
.Lfunc_end0:
.L_simem_size_0:
called_computation_lowered:
.L_overlay_start_0:
0x88: {  	s2 =	sld [smem:$0x3FD9]  }
0x89: {  	s3 =	sld [smem:$0x3FFE];
	_ =	sdelay $0x1  }
0x8a: {  	s1 =	srdreg.scid  }
0x8b: {  	s0 =	sand.u32 $0x1, s1  }
0x8c: {  	s16 =	sshll.u32 s0, $0xA;
	s2 =	sadd.s32 s3, s2  }
0x8d: {  	s2 =	sadd.s32 s2, s16  }
0x8e: {  	[smem:$0x3FC3] =	sst s2  }
0x8f: {  	_ = 	snop  }
0x90: {  	(tm) =	ssettm $0x1  }
0x91: {  	s17 =	sld [smem:$0x3FFB];
	_ =	sdelay $0x3  }
0x92: {  	_ =	strace s17  }
0x93: {  	s2 =	sld [smem:$0x3FFC];
	_ =	sdelay $0x3  }
0x94: {  	_ =	strace s2  }
0x95: {  	s2 =	sld [smem:$0x3FFD];
	_ =	sdelay $0x3  }
0x96: {  	_ =	strace s2  }
0x97: {  	_ =	strace $0x8FFFFFFF  }
0x98: {  	s18 =	sld [smem:$0x3FDB];
	_ =	sdelay $0x1  }
0x99: {  	s19 =	simm.s32 $_scs_section_size  }
0x9a: {  	s4 =	simm.s32 $_size__tile_overlayer_lowered;
	s5 =	simm.s32 $_tile_overlayer_lowered  }
0x9b: {  	s22 =	simm.s32 $0x1BFF;
	s21 =	sshll.u32 s5, $0x1;
	s2 =	sadd.s32 s19, s18  }
0x9c: {  	s6 =	simm.s32 $0x0;
	s20 =	sshll.u32 s4, $0x1;
	s4 =	sadd.s32 s21, s2  }
0x9d: {  	[timem:s6], [sflag:s22] =	dma.local [hbm:s4], s20  }
0x9e: {  	_ =	swait.ge [sflag:s22], s20  }
0x9f: {  	s3 =	ssub.s32 $0x0, s20;
	[sflag:s22] =	ssyncset.done $0x0  }
0xa0: {  	[sflag:s22] =	ssyncadd.s32 s3;
	_ =	sdelay $0x1  }
0xa1: {  	s23 =	simm.s32 $0x1B8B  }
0xa2: {  	_ =	swait.ge [sflag:s23], $0x1  }
0xa3: {  	[sflag:s23] =	ssyncset.done $0x0  }
0xa4: {  	s25 =	simm.s32 $0x1B8E;
	s24 =	sld [smem:$0x3FFE];
	[sflag:s23] =	ssyncadd.s32 $0xFFFFFFFF  }
0xa5: {  	s26 =	simm.s32 $execute0_lowered;
	[smem:$0x3FD2] =	sst s25  }
0xa6: {  	s4 =	sshll.u32 s26, $0x1;
	_ =	strace $0x80000046;
	[dreg:$0x1] =	wrdreg $0xFFFFFFFF  }
0xa7: {  	s28 =	simm.s32 $_size_execute0_lowered;
	s2 =	sadd.s32 s2, s4;
	[dreg:$0x0] =	wrdreg $0x0  }
0xa8: {  	s4 =	sshll.u32 s28, $0x1;
	[dreg:$0x2] =	wrdreg s2  }
0xa9: {  	[dreg:$0x3] =	wrdreg s4  }
0xaa: {  	[dreg:$0x4] =	wrdreg $0xC0  }
0xab: {  	_ =	task [dreg:s6], $0x5FFFF  }
0xac: {  	[dreg:$0x1] =	wrdreg $0xFFFFFFFF  }
0xad: {  	[dreg:$0x0] =	wrdreg $0x60  }
0xae: {  	[dreg:$0x2] =	wrdreg s24  }
0xaf: {  	[dreg:$0x3] =	wrdreg $0x9  }
0xb0: {  	_ =	task.clear_ibuf [dreg:s6], $0x4FFFF;
	_ =	strace $0x90000046  }
0xb1: {  	s29 =	simm.s32 $0x9;
	_ =	strace $0x80000048  }
0xb2: {  	_ =	swait.ge [sflag:s29], $0x1  }
0xb3: {  	[sflag:s29] =	ssyncadd.s32 $0xFFFFFFFF  }
0xb4: {  	_ =	strace $0x90000048  }
0xb5: {  	_ =	sfence  }
0xb6: {  	s30 =	sld [smem:$0x0];
	_ =	sdelay $0x2  }
0xb7: {  	s31 =	sshll.u32 s1, $0xD;
	s1 =	sshrl.u32 s1, $0x2  }
0xb8: {  	s3 =	sand.u32 $0x4000, s31;
	s1 =	sadd.s32 s1, s30  }
0xb9: {  	s0 =	sor.u32 s3, s0;
	s1 =	sshll.u32 s1, $0x11  }
0xba: {  	s0 =	sor.u32 s1, s0  }
0xbb: {  	s0 =	sadd.s32 $0x8F2B, s0  }
0xbc: {  	[sflag:s0] =	ssyncadd.remote.s32 $0x1  }
0xbd: {  	_ =	sfence.sel $0xFFFF  }
0xbe: {  	[dreg:$0x0] =	wrdreg $0xFFFFFFFF;
	(pc) =	sbr.abs _section_cstart, $3  }
0xbf: {  	[dreg:$0x1] =	wrdreg $0xFFFFFFFF  }
0xc0: {  	_ =	task.clear_ibuf [dreg:s6], $0x2FFFF;
	_ =	strace $0x9FFFFFFF  }
0xc1: {  	(tm) =	ssettm $0x7FFFFFFF  }
tec
execute0_lowered:
.L_overlay_start_1:
0x0: {  	(tag) =	ssettag $0x1  }
0x1: {  	s6 =	rddreg [dreg:$0x0]  }
0x2: {  	s0 =	rddreg [dreg:$0x1]  }
0x3: {  	s1 =	simm.s32 $0x0;
	s7 =	srdreg.scid;
	s2 =	stileid.u32  }
0x4: {  	s30 =	simm.s32 $0x80;
	s31 =	simm.s32 $0x8080;
	s11 =	simm.s32 $0x2  }
0x5: {  	s12 =	simm.s32 $0x0;
	[smem:$0x7FF] =	sst s1;
	s3 =	sadd.s32 $0x600, s6  }
0x6: {  	s4 =	sadd.s32 $0x800, s6;
	s5 =	sadd.s32 $0x100800, s6;
	s7 =	sand.u32 $0x1, s7  }
0x7: {  	s9 =	sshll.u32 s2, $0x3;
	s6 =	sadd.s32 $0x500800, s6;
	_ =	strace $0x80000047  }
0x8: {  	s8 =	ssub.s32 $0x2, s7;
	s7 =	sshll.u32 s7, $0x7;
	[dreg:$0x3] =	wrdreg s30  }
0x9: {  	[dreg:$0x4] =	wrdreg s31;
	s10 =	sshrl.u32 s8, $0x1;
	s7 =	sor.u32 s9, s7  }
0xa: {  	s9 =	simm.s32 $0xFFFFFFFF;
	s8 =	ssub.s32 s8, s10;
	[dreg:$0x2] =	wrdreg s7  }
0xb: {  	s10 =	simm.s32 $0x1;
	s7 =	smax.u32 s8, $0x1;
	s8 =	simm.s32 $0x3  }
.LBB2_1:
0xc: {  	[tilespmem:s1], [sflag:$0x3] =	stream.linear.gather [hbm4b:s3+s1], $0x80, $0x38;
	[tilespmem:$0x10080] =	vst v63  }
0xd: {  	_ =	swait.ge [sflag:s8], $0x80  }
0xe: {  	[sflag:s8] =	ssyncset.done $0x0  }
0xf: {  	[sflag:s8] =	ssyncadd.s32 $0xFFFFFF80  }
0x10: {  	v0 =	vld [tilespmem:$0x0];
	_ =	sdelay $0x4  }
0x11: {  	(v2sf) =	vpush v0, $0x0  }
0x12: {  	(v2sf) =	vpush v0, $0x1  }
0x13: {  	(v2sf) =	vpush v0, $0x2  }
0x14: {  	(v2sf) =	vpush v0, $0x3  }
0x15: {  	(v2sf) =	vpush v0, $0x4  }
0x16: {  	(v2sf) =	vpush v0, $0x5  }
0x17: {  	(v2sf) =	vpush v0, $0x6  }
0x18: {  	(v2sf) =	vpush v0, $0x7  }
0x19: {  	(v2sf) =	vpush v0, $0x8  }
0x1a: {  	(v2sf) =	vpush v0, $0x9  }
0x1b: {  	(v2sf) =	vpush v0, $0xA  }
0x1c: {  	v1 =	vld [tilespmem:$0x10];
	(v2sf) =	vpush v0, $0xB  }
0x1d: {  	(v2sf) =	vpush v0, $0xC  }
0x1e: {  	(v2sf) =	vpush v0, $0xD  }
0x1f: {  	(v2sf) =	vpush v0, $0xE  }
0x20: {  	s13 =	spop (v2sf);
	(v2sf) =	vpush v0, $0xF  }
0x21: {  	[smem:$0x0] =	sst s13;
	s20 =	spop (v2sf);
	(v2sf) =	vpush v1, $0x0  }
0x22: {  	[smem:$0x1] =	sst s20;
	s21 =	spop (v2sf);
	(v2sf) =	vpush v1, $0x1  }
0x23: {  	[smem:$0x2] =	sst s21;
	s22 =	spop (v2sf);
	(v2sf) =	vpush v1, $0x2  }
0x24: {  	[smem:$0x3] =	sst s22;
	s23 =	spop (v2sf);
	(v2sf) =	vpush v1, $0x3  }
0x25: {  	[smem:$0x4] =	sst s23;
	s24 =	spop (v2sf);
	(v2sf) =	vpush v1, $0x4  }
0x26: {  	[smem:$0x5] =	sst s24;
	s25 =	spop (v2sf);
	(v2sf) =	vpush v1, $0x5  }
0x27: {  	[smem:$0x6] =	sst s25;
	s26 =	spop (v2sf);
	(v2sf) =	vpush v1, $0x6  }
0x28: {  	[smem:$0x7] =	sst s26;
	s28 =	spop (v2sf);
	(v2sf) =	vpush v1, $0x7  }
0x29: {  	[smem:$0x8] =	sst s28;
	s29 =	spop (v2sf);
	(v2sf) =	vpush v1, $0x8  }
0x2a: {  	[smem:$0x9] =	sst s29;
	s30 =	spop (v2sf);
	(v2sf) =	vpush v1, $0x9  }
0x2b: {  	[smem:$0xA] =	sst s30;
	s31 =	spop (v2sf);
	(v2sf) =	vpush v1, $0xA  }
0x2c: {  	v62 =	vld [tilespmem:$0x20];
	[smem:$0xB] =	sst s31;
	s14 =	spop (v2sf);
	(v2sf) =	vpush v1, $0xB  }
0x2d: {  	[smem:$0xC] =	sst s14;
	s15 =	spop (v2sf);
	(v2sf) =	vpush v1, $0xC  }
0x2e: {  	[smem:$0xD] =	sst s15;
	s16 =	spop (v2sf);
	(v2sf) =	vpush v1, $0xD  }
0x2f: {  	[smem:$0xE] =	sst s16;
	s17 =	spop (v2sf);
	(v2sf) =	vpush v1, $0xE  }
0x30: {  	[smem:$0xF] =	sst s17;
	s18 =	spop (v2sf);
	(v2sf) =	vpush v1, $0xF  }
0x31: {  	[smem:$0x10] =	sst s18;
	s19 =	spop (v2sf);
	(v2sf) =	vpush v62, $0x0  }
0x32: {  	[smem:$0x11] =	sst s19;
	s20 =	spop (v2sf);
	(v2sf) =	vpush v62, $0x1  }
0x33: {  	[smem:$0x12] =	sst s20;
	s21 =	spop (v2sf);
	(v2sf) =	vpush v62, $0x2  }
0x34: {  	[smem:$0x13] =	sst s21;
	s22 =	spop (v2sf);
	(v2sf) =	vpush v62, $0x3  }
0x35: {  	[smem:$0x14] =	sst s22;
	s23 =	spop (v2sf);
	(v2sf) =	vpush v62, $0x4  }
0x36: {  	[smem:$0x15] =	sst s23;
	s24 =	spop (v2sf);
	(v2sf) =	vpush v62, $0x5  }
0x37: {  	[smem:$0x16] =	sst s24;
	s25 =	spop (v2sf);
	(v2sf) =	vpush v62, $0x6  }
0x38: {  	[smem:$0x17] =	sst s25;
	s26 =	spop (v2sf);
	(v2sf) =	vpush v62, $0x7  }
0x39: {  	[smem:$0x18] =	sst s26;
	s28 =	spop (v2sf);
	(v2sf) =	vpush v62, $0x8  }
0x3a: {  	[smem:$0x19] =	sst s28;
	s29 =	spop (v2sf);
	(v2sf) =	vpush v62, $0x9  }
0x3b: {  	[smem:$0x1A] =	sst s29;
	s30 =	spop (v2sf);
	(v2sf) =	vpush v62, $0xA  }
0x3c: {  	v63 =	vld [tilespmem:$0x30];
	[smem:$0x1B] =	sst s30;
	s31 =	spop (v2sf);
	(v2sf) =	vpush v62, $0xB  }
0x3d: {  	[smem:$0x1C] =	sst s31;
	s14 =	spop (v2sf);
	(v2sf) =	vpush v62, $0xC  }
0x3e: {  	[smem:$0x1D] =	sst s14;
	s15 =	spop (v2sf);
	(v2sf) =	vpush v62, $0xD  }
0x3f: {  	[smem:$0x1E] =	sst s15;
	s16 =	spop (v2sf);
	(v2sf) =	vpush v62, $0xE  }
0x40: {  	(v2sf) =	vpush v62, $0xF;
	s14 =	spop (v2sf);
	[smem:$0x1F] =	sst s16  }
0x41: {  	[smem:$0x20] =	sst s14;
	s17 =	spop (v2sf);
	(v2sf) =	vpush v63, $0x0  }
0x42: {  	[smem:$0x21] =	sst s17;
	s18 =	spop (v2sf);
	(v2sf) =	vpush v63, $0x1  }
0x43: {  	[smem:$0x22] =	sst s18;
	s19 =	spop (v2sf);
	(v2sf) =	vpush v63, $0x2  }
0x44: {  	[smem:$0x23] =	sst s19;
	s20 =	spop (v2sf);
	(v2sf) =	vpush v63, $0x3  }
0x45: {  	[smem:$0x24] =	sst s20;
	s21 =	spop (v2sf);
	(v2sf) =	vpush v63, $0x4  }
0x46: {  	[smem:$0x25] =	sst s21;
	s22 =	spop (v2sf);
	(v2sf) =	vpush v63, $0x5  }
0x47: {  	[smem:$0x26] =	sst s22;
	s23 =	spop (v2sf);
	(v2sf) =	vpush v63, $0x6  }
0x48: {  	[smem:$0x27] =	sst s23;
	s24 =	spop (v2sf);
	(v2sf) =	vpush v63, $0x7  }
0x49: {  	[smem:$0x28] =	sst s24;
	s25 =	spop (v2sf);
	(v2sf) =	vpush v63, $0x8  }
0x4a: {  	[smem:$0x29] =	sst s25;
	s26 =	spop (v2sf);
	(v2sf) =	vpush v63, $0x9  }
0x4b: {  	[smem:$0x2A] =	sst s26;
	s28 =	spop (v2sf);
	(v2sf) =	vpush v63, $0xA  }
0x4c: {  	[smem:$0x2B] =	sst s28;
	s29 =	spop (v2sf);
	(v2sf) =	vpush v63, $0xB  }
0x4d: {  	[smem:$0x2C] =	sst s29;
	s30 =	spop (v2sf);
	(v2sf) =	vpush v63, $0xC  }
0x4e: {  	[smem:$0x2D] =	sst s30;
	s31 =	spop (v2sf);
	(v2sf) =	vpush v63, $0xD  }
0x4f: {  	[smem:$0x2E] =	sst s31;
	s14 =	spop (v2sf);
	(v2sf) =	vpush v63, $0xE  }
0x50: {  	[smem:$0x2F] =	sst s14;
	s15 =	spop (v2sf);
	(v2sf) =	vpush v63, $0xF  }
0x51: {  	s16 =	spop (v2sf);
	[smem:$0x30] =	sst s15  }
0x52: {  	s17 =	spop (v2sf);
	[smem:$0x31] =	sst s16  }
0x53: {  	s18 =	spop (v2sf);
	[smem:$0x32] =	sst s17  }
0x54: {  	s19 =	spop (v2sf);
	[smem:$0x33] =	sst s18  }
0x55: {  	s20 =	spop (v2sf);
	[smem:$0x34] =	sst s19  }
0x56: {  	s21 =	spop (v2sf);
	[smem:$0x35] =	sst s20  }
0x57: {  	s22 =	spop (v2sf);
	[smem:$0x36] =	sst s21  }
0x58: {  	s23 =	spop (v2sf);
	[smem:$0x37] =	sst s22  }
0x59: {  	s24 =	spop (v2sf);
	[smem:$0x38] =	sst s23  }
0x5a: {  	s25 =	spop (v2sf);
	[smem:$0x39] =	sst s24  }
0x5b: {  	s26 =	spop (v2sf);
	[smem:$0x3A] =	sst s25  }
0x5c: {  	s28 =	spop (v2sf);
	[smem:$0x3B] =	sst s26  }
0x5d: {  	s29 =	spop (v2sf);
	[smem:$0x3C] =	sst s28  }
0x5e: {  	s30 =	spop (v2sf);
	[smem:$0x3D] =	sst s29  }
0x5f: {  	[smem:$0x3E] =	sst s30;
	s31 =	spop (v2sf)  }
0x60: {  	s13 =	simm.s32 $0x4;
	s14 =	simm.s32 $0x0;
	[smem:$0x3F] =	sst s31  }
.LBB2_2:
0x61: {  	p0 =	sne.s32 s13, $0x3FC  }
0x62: {  	[smem:s14+$0x80] =	sst s9;
	s14 =	smov.u32 s13;
	s13 =	sadd.s32 $0x4, s13  }
.Ltmp0:
0x63: {  	(pc) =	sbr.rel @p0 .LBB2_2-.Ltmp0, $2  }
0x64: {  	_ =	sdelay $0x2  }
0x65: {  	s15 =	simm.s32 $0x0;
	s14 =	sshra.s32 s14, $0x2  }
0x66: {  	[smem:s14+$0x80] =	sst s9;
	s13 =	simm.s32 $0x1  }
0x67: {  	s16 =	simm.s32 $0x0;
	s14 =	simm.s32 $0x0;
	s17 =	sld [smem:$0x0]  }
.LBB2_4:
0x68: {  	p0 =	sne.s32 s13, $0x3F  }
.Ltmp1:
0x69: {  	_ = 	snop;
	(pc) =	sbr.rel @p0 .LBB2_4-.Ltmp1, $3  }
0x6a: {  	_ =	sdelay $0x1  }
0x6b: {  	s14 =	sadd.s32 $0x1, s14;
	[smem:s17+$0x80] =	sst s16  }
0x6c: {  	s16 =	smov.u32 s13;
	s13 =	sadd.s32 $0x1, s13;
	s17 =	sld [smem:s14+$0x0]  }
0x6d: {  	_ = 	snop  }
0x6e: {  	p1 =	por $0x1, $0x1  }
0x6f: {  	s13 =	simm.s32 @!p1 $0x1;
	p0 =	por p1, p1;
	[smem:s17+$0x80] =	sst s16  }
0x70: {  	s14 =	rddreg [dreg:$0x2];
	_ =	swait.ge @!p0 [sflag:s13], $0x8000  }
0x71: {  	[sflag:s13] =	ssyncset.done @!p0 $0x0  }
0x72: {  	s16 =	sadd.s32 $0x0, s14;
	[sflag:s13] =	ssyncadd.s32 @!p0 $0xFFFF8000  }
0x73: {  	s18 =	sld [smem:s16+$0x80];
	_ =	sdelay $0x1  }
0x74: {  	s22 =	sand.u32 $0x40, s15;
	s15 =	simm.s32 $0x1;
	s14 =	simm.s32 @!p1 $0x2  }
0x75: {  	s17 =	sor.u32 $0x20, s22;
	s13 =	simm.s32 $0x40;
	p1 =	slt.s32 s18, $0x0  }
0x76: {  	s19 =	sshll.u32 @!p1 s18, $0x11;
	s25 =	sshll.u32 @!p1 s16, $0xE;
	s20 =	sshll.u32 @p1 s17, $0x7  }
0x77: {  	s24 =	sshll.u32 @p1 s16, $0xE;
	s23 =	simm.s32 @p1 $0x80;
	s16 =	simm.s32 @!p1 $0x3  }
0x78: {  	s26 =	sshll.u32 @p1 s22, $0x7;
	s18 =	simm.s32 @p1 $0x3;
	s28 =	sshll.u32 @!p1 s22, $0x7  }
0x79: {  	s21 =	simm.s32 @p1 $0x0;
	s22 =	sshll.u32 @!p1 s22, $0xA;
	s29 =	sadd.s32 @p1 s5, s26  }
0x7a: {  	s22 =	sor.u32 @!p1 s22, s19;
	s28 =	smov.u32 @p1 s26;
	s29 =	sadd.s32 @p1 s24, s29  }
0x7b: {  	[tilespmem:s23], [sflag:$0x3] =	stream.linear.gather @p1 [hbm4b:s29+s21], $0x8000, $0x38;
	[tilespmem:$0x10080] =	vst v63  }
0x7c: {  	s26 =	simm.s32 @!p1 $0x80;
	s25 =	smov.u32 @p1 s24;
	_ =	swait.ge @p1 [sflag:s18], $0x8000  }
0x7d: {  	s22 =	sshrl.u32 @!p1 s22, $0x3;
	s24 =	sadd.s32 @p1 s5, s25;
	[sflag:s18] =	ssyncset.done @p1 $0x0  }
0x7e: {  	s22 =	sadd.s32 @!p1 s4, s22;
	s23 =	simm.s32 @!p1 $0x0;
	[sflag:s18] =	ssyncadd.s32 @p1 $0xFFFF8000  }
0x7f: {  	[tilespmem:s26], [sflag:$0x3] =	stream.linear.gather @!p1 [hbm4b:s22+s23], $0x8000, $0x38;
	[tilespmem:$0x10080] =	vst v63  }
0x80: {  	s28 =	sadd.s32 s6, s28;
	s24 =	sadd.s32 @p1 s20, s24;
	_ =	swait.ge @!p1 [sflag:s16], $0x8000  }
0x81: {  	s28 =	sadd.s32 s25, s28;
	s22 =	sadd.s32 s6, s25;
	[sflag:s16] =	ssyncset.done @!p1 $0x0  }
0x82: {  	s25 =	sshll.u32 @!p1 s17, $0xA;
	s26 =	rddreg [dreg:$0x3];
	[sflag:s16] =	ssyncadd.s32 @!p1 $0xFFFF8000  }
.LBB2_6:
0x83: {  	[hbm4b:s28+s1] =	stream.linear.scatter [tilespmem:s26], [sflag:$0x1], $0x8000, $0x38;
	[tilespmem:$0x10080] =	vst v63  }
0x84: {  	_ =	swait.ge @!p0 [sflag:s14], $0x8000  }
0x85: {  	p3 =	seq.s32 s13, $0x0;
	s29 =	sshll.u32 @!p1 s17, $0x7;
	[sflag:s14] =	ssyncset.done @!p0 $0x0  }
0x86: {  	s28 =	simm.s32 @p1 $0x8080;
	s29 =	smov.u32 @p1 s20;
	[sflag:s14] =	ssyncadd.s32 @!p0 $0xFFFF8000  }
0x87: {  	[tilespmem:s28], [sflag:$0x3] =	stream.linear.gather @p1 [hbm4b:s24+s21], $0x8000, $0x38;
	[tilespmem:$0x10080] =	vst v63  }
0x88: {  	s20 =	simm.s32 @!p3 $0x2;
	s14 =	sor.u32 @!p1 s25, s19;
	_ =	swait.ge @p1 [sflag:s18], $0x8000  }
0x89: {  	s19 =	sshrl.u32 @!p1 s14, $0x3;
	s14 =	smov.u32 s20;
	[sflag:s18] =	ssyncset.done @p1 $0x0  }
0x8a: {  	s20 =	simm.s32 @!p1 $0x8080;
	s19 =	sadd.s32 @!p1 s4, s19;
	[sflag:s18] =	ssyncadd.s32 @p1 $0xFFFF8000  }
0x8b: {  	[tilespmem:s20], [sflag:$0x3] =	stream.linear.gather @!p1 [hbm4b:s19+s23], $0x8000, $0x38;
	[tilespmem:$0x10080] =	vst v63  }
0x8c: {  	s31 =	smov.u32 s13;
	s26 =	simm.s32 @!p3 $0x1;
	_ =	swait.ge @!p1 [sflag:s16], $0x8000  }
0x8d: {  	p0 =	por p3, p3;
	s23 =	sand.u32 $0x40, s31;
	[sflag:s16] =	ssyncset.done @!p1 $0x0  }
0x8e: {  	s31 =	sadd.s32 s29, s22;
	s24 =	rddreg [dreg:$0x4];
	[sflag:s16] =	ssyncadd.s32 @!p1 $0xFFFF8000  }
0x8f: {  	[hbm4b:s31+s1] =	stream.linear.scatter [tilespmem:s24], [sflag:$0x2], $0x8000, $0x38;
	[tilespmem:$0x10080] =	vst v63  }
0x90: {  	s30 =	rddreg [dreg:$0x2];
	_ =	swait.ge @!p0 [sflag:s26], $0x8000  }
0x91: {  	s25 =	sshrl.u32 s15, $0x1;
	[sflag:s26] =	ssyncset.done @!p0 $0x0  }
0x92: {  	s16 =	sadd.s32 s30, s25;
	[sflag:s26] =	ssyncadd.s32 @!p0 $0xFFFF8000  }
0x93: {  	s18 =	sld [smem:s16+$0x80];
	_ =	sdelay $0x1  }
0x94: {  	s13 =	sadd.s32 $0x40, s13  }
0x95: {  	p2 =	sne.s32 s13, $0x400;
	p1 =	slt.s32 s18, $0x0  }
0x96: {  	s15 =	sadd.s32 $0x1, s15;
	s17 =	sor.u32 $0x20, s23;
	s19 =	sshll.u32 @!p1 s18, $0x11  }
0x97: {  	s25 =	sshll.u32 @!p1 s16, $0xE;
	s20 =	sshll.u32 @p1 s17, $0x7;
	s22 =	sshll.u32 @p1 s16, $0xE  }
0x98: {  	s24 =	simm.s32 @p1 $0x80;
	s16 =	simm.s32 @!p1 $0x3;
	s26 =	sshll.u32 @p1 s23, $0x7  }
0x99: {  	s18 =	simm.s32 @p1 $0x3;
	s28 =	sshll.u32 @!p1 s23, $0x7;
	s23 =	sshll.u32 @!p1 s23, $0xA  }
0x9a: {  	s21 =	simm.s32 @p1 $0x0;
	s29 =	sadd.s32 @p1 s5, s26;
	s23 =	sor.u32 @!p1 s23, s19  }
0x9b: {  	s28 =	smov.u32 @p1 s26;
	s25 =	smov.u32 @p1 s22;
	s29 =	sadd.s32 @p1 s22, s29  }
0x9c: {  	[tilespmem:s24], [sflag:$0x3] =	stream.linear.gather @p1 [hbm4b:s29+s21], $0x8000, $0x38;
	[tilespmem:$0x10080] =	vst v63  }
0x9d: {  	s23 =	sshrl.u32 @!p1 s23, $0x3;
	s28 =	sadd.s32 s6, s28;
	_ =	swait.ge @p1 [sflag:s18], $0x8000  }
0x9e: {  	s24 =	simm.s32 @!p1 $0x80;
	s26 =	sadd.s32 @!p1 s4, s23;
	[sflag:s18] =	ssyncset.done @p1 $0x0  }
.Ltmp2:
0x9f: {  	s23 =	simm.s32 @!p1 $0x0;
	[sflag:s18] =	ssyncadd.s32 @p1 $0xFFFF8000;
	(pc) =	sbr.rel @p2 .LBB2_6-.Ltmp2, $4  }
0xa0: {  	[tilespmem:s24], [sflag:$0x3] =	stream.linear.gather @!p1 [hbm4b:s26+s23], $0x8000, $0x38;
	[tilespmem:$0x10080] =	vst v63  }
0xa1: {  	s22 =	sadd.s32 s6, s25;
	s28 =	sadd.s32 s25, s28;
	_ =	swait.ge @!p1 [sflag:s16], $0x8000  }
0xa2: {  	s24 =	sadd.s32 @p1 s5, s25;
	s25 =	sshll.u32 @!p1 s17, $0xA;
	[sflag:s16] =	ssyncset.done @!p1 $0x0  }
0xa3: {  	s24 =	sadd.s32 @p1 s20, s24;
	s26 =	rddreg [dreg:$0x3];
	[sflag:s16] =	ssyncadd.s32 @!p1 $0xFFFF8000  }
0xa4: {  	[hbm4b:s28+s1] =	stream.linear.scatter [tilespmem:s26], [sflag:$0x1], $0x8000, $0x38;
	[tilespmem:$0x10080] =	vst v63  }
0xa5: {  	_ =	swait.ge @!p0 [sflag:s14], $0x8000  }
0xa6: {  	[sflag:s14] =	ssyncset.done @!p0 $0x0  }
0xa7: {  	s13 =	simm.s32 @p1 $0x8080;
	[sflag:s14] =	ssyncadd.s32 @!p0 $0xFFFF8000  }
0xa8: {  	[tilespmem:s13], [sflag:$0x3] =	stream.linear.gather @p1 [hbm4b:s24+s21], $0x8000, $0x38;
	[tilespmem:$0x10080] =	vst v63  }
0xa9: {  	s13 =	sor.u32 @!p1 s25, s19;
	_ =	swait.ge @p1 [sflag:s18], $0x8000  }
0xaa: {  	s13 =	sshrl.u32 @!p1 s13, $0x3;
	[sflag:s18] =	ssyncset.done @p1 $0x0  }
0xab: {  	s14 =	simm.s32 @!p1 $0x8080;
	s13 =	sadd.s32 @!p1 s4, s13;
	[sflag:s18] =	ssyncadd.s32 @p1 $0xFFFF8000  }
0xac: {  	[tilespmem:s14], [sflag:$0x3] =	stream.linear.gather @!p1 [hbm4b:s13+s23], $0x8000, $0x38;
	[tilespmem:$0x10080] =	vst v63  }
0xad: {  	s13 =	sshll.u32 @!p1 s17, $0x7;
	_ =	swait.ge @!p1 [sflag:s16], $0x8000  }
0xae: {  	s12 =	sadd.s32 $0x1, s12;
	s13 =	smov.u32 @p1 s20;
	[sflag:s16] =	ssyncset.done @!p1 $0x0  }
0xaf: {  	s31 =	rddreg [dreg:$0x4];
	s13 =	sadd.s32 s13, s22;
	[sflag:s16] =	ssyncadd.s32 @!p1 $0xFFFF8000  }
0xb0: {  	[hbm4b:s13+s1] =	stream.linear.scatter [tilespmem:s31], [sflag:$0x2], $0x8000, $0x38;
	[tilespmem:$0x10080] =	vst v63  }
0xb1: {  	p0 =	sne.s32 s12, s7;
	_ =	swait.ge [sflag:s10], $0x8000  }
.Ltmp3:
0xb2: {  	[sflag:s10] =	ssyncset.done $0x0;
	(pc) =	sbr.rel @p0 .LBB2_1-.Ltmp3, $4  }
0xb3: {  	[sflag:s10] =	ssyncadd.s32 $0xFFFF8000  }
0xb4: {  	_ =	swait.ge [sflag:s11], $0x8000  }
0xb5: {  	[sflag:s11] =	ssyncset.done $0x0  }
0xb6: {  	[sflag:s11] =	ssyncadd.s32 $0xFFFF8000  }
0xb7: {  	_ =	sfence.sel $0x180000  }
0xb8: {  	[bflag:$0x0] =	sbarrier.arrive $0xFFFF  }
0xb9: {  	p0 =	sne.s32 s2, $0x0;
	_ =	strace $0x90000047  }
0xba: {  	s0 =	sadd.s32 @!p0 $0x100000, s0;
	[bflag:$0x2] =	sbarrier.arrive $0xFFFF  }
0xbb: {  	[sflag:s0] =	ssyncadd.tile.s32 @!p0 $0x1;
	_ =	shalt  }
.Lfunc_end2:
_tile_overlayer_lowered:
.L_overlay_start_2:
0xbc: {  	(tag) =	ssettag $0x2  }
0xbd: {  	s0 =	rddreg [dreg:$0x0];
	s2 =	stileid.u32  }
0xbe: {  	s1 =	rddreg [dreg:$0x1];
	p0 =	sne.s32 s2, $0x0  }
0xbf: {  	s3 =	rddreg [dreg:$0x2];
	[bflag:$0x3] =	sbarrier.arrive $0xFFFF;
	s2 =	simm.s32 @!p0 $0x1C03  }
0xc0: {  	[timem:s3], [sflag:s2] =	dma.local @!p0 [hbm:s0], s1  }
0xc1: {  	s0 =	simm.s32 @!p0 $0x3  }
0xc2: {  	_ =	swait.ge @!p0 [sflag:s0], s1  }
0xc3: {  	s1 =	ssub.s32 @!p0 $0x0, s1;
	[sflag:s0] =	ssyncset.done @!p0 $0x0  }
0xc4: {  	[sflag:s0] =	ssyncadd.s32 @!p0 s1  }
0xc5: {  	[bflag:$0x3] =	sbarrier.arrive $0xFFFF  }
0xc6: {  	_ =	shalt  }

</sc_bundles>
